<compile_context>
chip_gen: v7x
topology: tpu7x:2x2x1
jax: 0.10.2.dev20260603
libtpu: 0.0.44.dev20260713+nightly
codegen_flags: <defaults>
</compile_context>

<pallas_src>
import functools

import jax
import jax.numpy as jnp
from jax import lax
from jax.experimental import pallas as pl
from jax.experimental.pallas import tpu as pltpu
from jax.experimental.pallas import tpu_sc as plsc

_HW = 1024
_NCLS = 150
_NPAD = 152
_C = 96
_TAU = 0.3
_NCORES = 2
_BB = 8


def _scan_body(prob_ref, idx_ref, mask_ref):
    for i in range(_BB):
        p = prob_ref[i]
        m = jnp.max(p, axis=0, keepdims=True)
        ones_row = jnp.ones((1, _HW), jnp.float32)
        s = jax.lax.dot_general(ones_row, p, (((1,), (0,)), ((), ())),
                                preferred_element_type=jnp.float32)
        hw_iota = jax.lax.broadcasted_iota(jnp.int32, p.shape, 0)
        idx = jnp.min(jnp.where(p == m, hw_iota, _HW), axis=0, keepdims=True)
        rep = (s * (1.0 / _HW)) > _TAU
        pad_i = jnp.zeros((1, _NPAD - _NCLS), jnp.int32)
        pad_f = jnp.zeros((1, _NPAD - _NCLS), jnp.float32)
        idx_ref[i] = jnp.concatenate([idx, pad_i], axis=1)
        mask_ref[i] = jnp.concatenate([rep.astype(jnp.float32), pad_f],
                                      axis=1)


def _sc_body(emb_hbm, idx_hbm, mask_hbm, out_hbm, ebuf, outb, idxv, maskv):
    wid = lax.axis_index("s") * _NCORES + lax.axis_index("c")

    for b in (2 * wid, 2 * wid + 1):
        pltpu.sync_copy(idx_hbm.at[pl.ds(b * _NPAD, _NPAD)],
                        idxv.at[pl.ds(0, _NPAD)])
        pltpu.sync_copy(mask_hbm.at[pl.ds(b * _NPAD, _NPAD)],
                        maskv.at[pl.ds(0, _NPAD)])

        for s in range(2):
            pltpu.sync_copy(emb_hbm.at[b, pl.ds(s * 512, 512), :], ebuf)

            def cls_step(n, carry, s=s):
                idxn = idxv[pl.ds(n, 16)][0]
                maskn = maskv[pl.ds(n, 16)][0]
                off = jnp.clip(idxn - s * 512, 0, 511)
                inr = idxn >= 512
                for k in range(_C // 16):
                    sl = pl.ds(k * 16, 16)
                    v = ebuf[off, sl] * maskn
                    if s == 0:
                        outb[n, sl] = v
                    else:
                        outb[n, sl] = jnp.where(inr, v, outb[n, sl])
                return carry

            lax.fori_loop(0, _NCLS, cls_step, 0)

        pltpu.sync_copy(outb.at[pl.ds(0, _NCLS)], out_hbm.at[b])


def kernel(emb, prob_map):
    B = emb.shape[0]
    emb_r = emb.reshape(B, _HW, _C)
    prob_r = prob_map.reshape(B, _HW, _NCLS)

    idx, mask = pl.pallas_call(
        _scan_body,
        grid=(B // _BB,),
        in_specs=[pl.BlockSpec((_BB, _HW, _NCLS), lambda b: (b, 0, 0))],
        out_specs=[
            pl.BlockSpec((_BB, 1, _NPAD), lambda b: (b, 0, 0)),
            pl.BlockSpec((_BB, 1, _NPAD), lambda b: (b, 0, 0)),
        ],
        out_shape=[
            jax.ShapeDtypeStruct((B, 1, _NPAD), jnp.int32),
            jax.ShapeDtypeStruct((B, 1, _NPAD), jnp.float32),
        ],
    )(prob_r)

    mesh = plsc.VectorSubcoreMesh(core_axis_name="c", subcore_axis_name="s")
    sc_fn = functools.partial(
        pl.kernel,
        mesh=mesh,
        out_type=jax.ShapeDtypeStruct((B, _NCLS, _C), jnp.float32),
        scratch_types=[
            pltpu.VMEM((512, _C), jnp.float32),
            pltpu.VMEM((152, _C), jnp.float32),
            pltpu.VMEM((176,), jnp.int32),
            pltpu.VMEM((176,), jnp.float32),
        ],
    )(_sc_body)
    return sc_fn(emb_r, idx.reshape(B * _NPAD), mask.reshape(B * _NPAD))

# --- scband reference (transcript-rebuilt; emitter-appended) ---
"""Pipeline reference for scband-max-feat-block-descriptor-layer-71098888618039 (READ-ONLY COPY).

The authoritative reference and input builder live on the scoring server;
editing this copy changes nothing except your own understanding.
"""

import jax, jax.numpy as jnp
import numpy as np

EMB_SHAPE = (32, 32, 96)
N_CLASSES = 150
TAU = 0.3


def setup_inputs(seed: int = 0) -> dict:
    key = jax.random.key(seed)
    k1, k2 = jax.random.split(key)
    emb = jax.random.normal(k1, (64, 32, 32, 96), dtype=jnp.float32)
    prob_map = jax.random.uniform(k2, (64, 32, 32, 150), dtype=jnp.float32)
    return {"emb": emb, "prob_map": prob_map}


def reference(emb, prob_map):
    H, W, C = EMB_SHAPE
    HW = H * W
    emb_flat = emb.reshape(-1, HW, C)                       # [B, HW, C]
    prob_map_flat = prob_map.reshape(-1, HW, N_CLASSES)     # [B, HW, n_classes]
    # per-class spatial argmax over the HW axis -> [B, n_classes]
    argmax_prob_map_flat = jnp.argmax(prob_map_flat, axis=1)
    # gather the feature vector at the argmax location for each class
    # (equivalent to tf.map_fn(tf.gather(emb_flat_i, idx_i, axis=0)))
    maxfeat = jnp.take_along_axis(emb_flat, argmax_prob_map_flat[:, :, None], axis=1)  # [B, n_classes, C]
    avg_prob = jnp.mean(prob_map_flat, axis=1)              # [B, n_classes]
    is_representitive = avg_prob > TAU
    maxfeat = is_representitive[:, :, None].astype(jnp.float32) * maxfeat
    return maxfeat

if __name__ == "__main__":
    import jax
    _d = setup_inputs()
    print(jax.jit(kernel)(*tuple(_d.values())))

</pallas_src>

<mosaic_0001>
#map = affine_map<(d0, d1) -> (0, 0, 0)>
#map1 = affine_map<(d0, d1) -> (0)>
module attributes {stable_mosaic.version = 14 : i64} {
  func.func @_sc_body(%arg0: i32, %arg1: i32, %arg2: memref<64x1024x96xf32, #tpu.memory_space<hbm>>, %arg3: memref<9728xi32, #tpu.memory_space<hbm>>, %arg4: memref<9728xf32, #tpu.memory_space<hbm>>, %arg5: memref<64x150x96xf32, #tpu.memory_space<hbm>>, %arg6: memref<512x96xf32, #tpu.memory_space<vmem>>, %arg7: memref<152x96xf32, #tpu.memory_space<vmem>>, %arg8: memref<176xi32, #tpu.memory_space<vmem>>, %arg9: memref<176xf32, #tpu.memory_space<vmem>>) attributes {dimension_semantics = [#tpu.dimension_semantics<core_parallel>, #tpu.dimension_semantics<subcore_parallel>], iteration_bounds = array<i64: 2, 16>, scalar_prefetch = 0 : i64, scratch_operands = 4 : i64, tpu.core_type = #tpu.core_type<sc_vector_subcore>, window_params = [{transform_indices = #map}, {transform_indices = #map1}, {transform_indices = #map1}, {transform_indices = #map}]} {
    %mul3A = arith.constant 2 : i32
    %mul3A_0 = arith.muli %arg1, %mul3A : i32
    %add3A = arith.addi %mul3A_0, %arg0 : i32
    %mul3A_1 = arith.constant 2 : i32
    %mul3A_2 = arith.muli %mul3A_1, %add3A : i32
    %mul3A_3 = arith.constant 2 : i32
    %mul3A_4 = arith.muli %mul3A_3, %add3A : i32
    %add3A_5 = arith.constant 1 : i32
    %add3A_6 = arith.addi %mul3A_4, %add3A_5 : i32
    %mul3A_7 = arith.constant 152 : i32
    %mul3A_8 = arith.muli %mul3A_2, %mul3A_7 : i32
    "tpu.region"() ({
      %run_scoped3A = tpu.sem_alloc : memref<!tpu.dma_semaphore, #tpu.memory_space<semaphore_mem>>
      %dma_start3A = arith.constant 0 : i32
      %dma_start3A_38 = tpu.memref_slice %arg8[%dma_start3A] : memref<176xi32, #tpu.memory_space<vmem>> -> memref<152xi32, #tpu.memory_space<vmem>>
      %dma_start3A_39 = tpu.memref_slice %arg3[%mul3A_8] : memref<9728xi32, #tpu.memory_space<hbm>> -> memref<152xi32, #tpu.memory_space<hbm>>
      %dma_start3A_40 = arith.constant 0 : i32
      %dma_start3A_41 = tpu.memref_slice %arg8[%dma_start3A_40] : memref<176xi32, #tpu.memory_space<vmem>> -> memref<152xi32, #tpu.memory_space<vmem>>
      %dma_start3A_42 = tpu.memref_slice %arg3[%mul3A_8] : memref<9728xi32, #tpu.memory_space<hbm>> -> memref<152xi32, #tpu.memory_space<hbm>>
      tpu.enqueue_dma source(%dma_start3A_42 : memref<152xi32, #tpu.memory_space<hbm>>) target(%dma_start3A_41 : memref<152xi32, #tpu.memory_space<vmem>>) target_semaphore(%run_scoped3A : memref<!tpu.dma_semaphore, #tpu.memory_space<semaphore_mem>>)
      %dma_wait3A = arith.constant 0 : i32
      %dma_wait3A_43 = tpu.memref_slice %arg8[%dma_wait3A] : memref<176xi32, #tpu.memory_space<vmem>> -> memref<152xi32, #tpu.memory_space<vmem>>
      %dma_wait3A_44 = tpu.memref_slice %arg3[%mul3A_8] : memref<9728xi32, #tpu.memory_space<hbm>> -> memref<152xi32, #tpu.memory_space<hbm>>
      %dma_wait3A_45 = arith.constant 0 : i32
      %dma_wait3A_46 = tpu.memref_slice %arg8[%dma_wait3A_45] : memref<176xi32, #tpu.memory_space<vmem>> -> memref<152xi32, #tpu.memory_space<vmem>>
      %dma_wait3A_47 = tpu.memref_slice %arg3[%mul3A_8] : memref<9728xi32, #tpu.memory_space<hbm>> -> memref<152xi32, #tpu.memory_space<hbm>>
      tpu.wait_dma2 semaphore(%run_scoped3A : memref<!tpu.dma_semaphore, #tpu.memory_space<semaphore_mem>>) src(%dma_wait3A_47 : memref<152xi32, #tpu.memory_space<hbm>>) dst(%dma_wait3A_46 : memref<152xi32, #tpu.memory_space<vmem>>)
      tpu.yield
    }) : () -> ()
    %mul3A_9 = arith.constant 152 : i32
    %mul3A_10 = arith.muli %mul3A_2, %mul3A_9 : i32
    "tpu.region"() ({
      %run_scoped3A = tpu.sem_alloc : memref<!tpu.dma_semaphore, #tpu.memory_space<semaphore_mem>>
      %dma_start3A = arith.constant 0 : i32
      %dma_start3A_38 = tpu.memref_slice %arg9[%dma_start3A] : memref<176xf32, #tpu.memory_space<vmem>> -> memref<152xf32, #tpu.memory_space<vmem>>
      %dma_start3A_39 = tpu.memref_slice %arg4[%mul3A_10] : memref<9728xf32, #tpu.memory_space<hbm>> -> memref<152xf32, #tpu.memory_space<hbm>>
      %dma_start3A_40 = arith.constant 0 : i32
      %dma_start3A_41 = tpu.memref_slice %arg9[%dma_start3A_40] : memref<176xf32, #tpu.memory_space<vmem>> -> memref<152xf32, #tpu.memory_space<vmem>>
      %dma_start3A_42 = tpu.memref_slice %arg4[%mul3A_10] : memref<9728xf32, #tpu.memory_space<hbm>> -> memref<152xf32, #tpu.memory_space<hbm>>
      tpu.enqueue_dma source(%dma_start3A_42 : memref<152xf32, #tpu.memory_space<hbm>>) target(%dma_start3A_41 : memref<152xf32, #tpu.memory_space<vmem>>) target_semaphore(%run_scoped3A : memref<!tpu.dma_semaphore, #tpu.memory_space<semaphore_mem>>)
      %dma_wait3A = arith.constant 0 : i32
      %dma_wait3A_43 = tpu.memref_slice %arg9[%dma_wait3A] : memref<176xf32, #tpu.memory_space<vmem>> -> memref<152xf32, #tpu.memory_space<vmem>>
      %dma_wait3A_44 = tpu.memref_slice %arg4[%mul3A_10] : memref<9728xf32, #tpu.memory_space<hbm>> -> memref<152xf32, #tpu.memory_space<hbm>>
      %dma_wait3A_45 = arith.constant 0 : i32
      %dma_wait3A_46 = tpu.memref_slice %arg9[%dma_wait3A_45] : memref<176xf32, #tpu.memory_space<vmem>> -> memref<152xf32, #tpu.memory_space<vmem>>
      %dma_wait3A_47 = tpu.memref_slice %arg4[%mul3A_10] : memref<9728xf32, #tpu.memory_space<hbm>> -> memref<152xf32, #tpu.memory_space<hbm>>
      tpu.wait_dma2 semaphore(%run_scoped3A : memref<!tpu.dma_semaphore, #tpu.memory_space<semaphore_mem>>) src(%dma_wait3A_47 : memref<152xf32, #tpu.memory_space<hbm>>) dst(%dma_wait3A_46 : memref<152xf32, #tpu.memory_space<vmem>>)
      tpu.yield
    }) : () -> ()
    "tpu.region"() ({
      %run_scoped3A = tpu.sem_alloc : memref<!tpu.dma_semaphore, #tpu.memory_space<semaphore_mem>>
      %dma_start3A = arith.constant 0 : i32
      %dma_start3A_38 = arith.constant 0 : i32
      %dma_start3A_39 = tpu.memref_slice %arg2[%mul3A_2, %dma_start3A, %dma_start3A_38] : memref<64x1024x96xf32, #tpu.memory_space<hbm>> -> memref<1x512x96xf32, #tpu.memory_space<hbm>>
      %dma_start3A_40 = tpu.memref_squeeze %dma_start3A_39 : memref<1x512x96xf32, #tpu.memory_space<hbm>> -> memref<512x96xf32, #tpu.memory_space<hbm>>
      %dma_start3A_41 = arith.constant 0 : i32
      %dma_start3A_42 = arith.constant 0 : i32
      %dma_start3A_43 = tpu.memref_slice %arg2[%mul3A_2, %dma_start3A_41, %dma_start3A_42] : memref<64x1024x96xf32, #tpu.memory_space<hbm>> -> memref<1x512x96xf32, #tpu.memory_space<hbm>>
      %dma_start3A_44 = tpu.memref_squeeze %dma_start3A_43 : memref<1x512x96xf32, #tpu.memory_space<hbm>> -> memref<512x96xf32, #tpu.memory_space<hbm>>
      tpu.enqueue_dma source(%dma_start3A_44 : memref<512x96xf32, #tpu.memory_space<hbm>>) target(%arg6 : memref<512x96xf32, #tpu.memory_space<vmem>>) target_semaphore(%run_scoped3A : memref<!tpu.dma_semaphore, #tpu.memory_space<semaphore_mem>>)
      %dma_wait3A = arith.constant 0 : i32
      %dma_wait3A_45 = arith.constant 0 : i32
      %dma_wait3A_46 = tpu.memref_slice %arg2[%mul3A_2, %dma_wait3A, %dma_wait3A_45] : memref<64x1024x96xf32, #tpu.memory_space<hbm>> -> memref<1x512x96xf32, #tpu.memory_space<hbm>>
      %dma_wait3A_47 = tpu.memref_squeeze %dma_wait3A_46 : memref<1x512x96xf32, #tpu.memory_space<hbm>> -> memref<512x96xf32, #tpu.memory_space<hbm>>
      %dma_wait3A_48 = arith.constant 0 : i32
      %dma_wait3A_49 = arith.constant 0 : i32
      %dma_wait3A_50 = tpu.memref_slice %arg2[%mul3A_2, %dma_wait3A_48, %dma_wait3A_49] : memref<64x1024x96xf32, #tpu.memory_space<hbm>> -> memref<1x512x96xf32, #tpu.memory_space<hbm>>
      %dma_wait3A_51 = tpu.memref_squeeze %dma_wait3A_50 : memref<1x512x96xf32, #tpu.memory_space<hbm>> -> memref<512x96xf32, #tpu.memory_space<hbm>>
      tpu.wait_dma2 semaphore(%run_scoped3A : memref<!tpu.dma_semaphore, #tpu.memory_space<semaphore_mem>>) src(%dma_wait3A_51 : memref<512x96xf32, #tpu.memory_space<hbm>>) dst(%arg6 : memref<512x96xf32, #tpu.memory_space<vmem>>)
      tpu.yield
    }) : () -> ()
    %scan3A = arith.constant 0 : i32
    %scan3A_11 = arith.constant 0 : i32
    %scan3A_12 = arith.constant 150 : i32
    %scan3A_13 = arith.addi %scan3A_11, %scan3A_12 : i32
    %scan3A_14 = arith.constant 1 : i32
    scf.for %scan3A_38 = %scan3A_11 to %scan3A_13 step %scan3A_14  : i32 {
      %get3A = arith.index_cast %scan3A_38 : i32 to index
      %get3A_39 = tpu.vector_load %arg8[%get3A] {strides = array<i32>} : memref<176xi32, #tpu.memory_space<vmem>>, vector<16xi32>,
      %get3A_40 = vector.shape_cast %get3A_39 : vector<16xi32> to vector<16xi32>
      %slice3A = vector.extract_strided_slice %get3A_40 {offsets = [0], sizes = [1], strides = [1]} : vector<16xi32> to vector<1xi32>
      %squeeze3A = vector.extract %slice3A[0] : i32 from vector<1xi32>
      %get3A_41 = arith.index_cast %scan3A_38 : i32 to index
      %get3A_42 = tpu.vector_load %arg9[%get3A_41] {strides = array<i32>} : memref<176xf32, #tpu.memory_space<vmem>>, vector<16xf32>,
      %get3A_43 = vector.shape_cast %get3A_42 : vector<16xf32> to vector<16xf32>
      %slice3A_44 = vector.extract_strided_slice %get3A_43 {offsets = [0], sizes = [1], strides = [1]} : vector<16xf32> to vector<1xf32>
      %squeeze3A_45 = vector.extract %slice3A_44[0] : f32 from vector<1xf32>
      %sub3A = arith.constant 0 : i32
      %sub3A_46 = arith.subi %squeeze3A, %sub3A : i32
      %jit3A = arith.constant 0 : i32
      %jit3A_47 = arith.constant 511 : i32
      %max3A = arith.maxsi %jit3A, %sub3A_46 : i32
      %min3A = arith.minsi %jit3A_47, %max3A : i32
      %ge3A = arith.constant 512 : i32
      %ge3A_48 = arith.cmpi sge, %squeeze3A, %ge3A : i32
      %get3A_49 = arith.index_cast %min3A : i32 to index
      %get3A_50 = arith.constant 0 : index
      %get3A_51 = tpu.vector_load %arg6[%get3A_49, %get3A_50] {strides = array<i32>} : memref<512x96xf32, #tpu.memory_space<vmem>>, vector<1x16xf32>,
      %get3A_52 = vector.shape_cast %get3A_51 : vector<1x16xf32> to vector<16xf32>
      %mul3A_53 = vector.broadcast %squeeze3A_45 : f32 to vector<16xf32>
      %mul3A_54 = arith.mulf %get3A_52, %mul3A_53 : vector<16xf32>
      %swap3A = arith.index_cast %scan3A_38 : i32 to index
      %swap3A_55 = arith.constant 0 : index
      %swap3A_56 = tpu.vector_load %arg7[%swap3A, %swap3A_55] {strides = array<i32>} : memref<152x96xf32, #tpu.memory_space<vmem>>, vector<1x16xf32>,
      %swap3A_57 = vector.shape_cast %swap3A_56 : vector<1x16xf32> to vector<16xf32>
      %swap3A_58 = vector.shape_cast %mul3A_54 : vector<16xf32> to vector<1x16xf32>
      tpu.vector_store %arg7[%swap3A, %swap3A_55], %swap3A_58 {strides = array<i32>} : memref<152x96xf32, #tpu.memory_space<vmem>>, vector<1x16xf32>,
      %get3A_59 = arith.index_cast %min3A : i32 to index
      %get3A_60 = arith.constant 16 : index
      %get3A_61 = tpu.vector_load %arg6[%get3A_59, %get3A_60] {strides = array<i32>} : memref<512x96xf32, #tpu.memory_space<vmem>>, vector<1x16xf32>,
      %get3A_62 = vector.shape_cast %get3A_61 : vector<1x16xf32> to vector<16xf32>
      %mul3A_63 = vector.broadcast %squeeze3A_45 : f32 to vector<16xf32>
      %mul3A_64 = arith.mulf %get3A_62, %mul3A_63 : vector<16xf32>
      %swap3A_65 = arith.index_cast %scan3A_38 : i32 to index
      %swap3A_66 = arith.constant 16 : index
      %swap3A_67 = tpu.vector_load %arg7[%swap3A_65, %swap3A_66] {strides = array<i32>} : memref<152x96xf32, #tpu.memory_space<vmem>>, vector<1x16xf32>,
      %swap3A_68 = vector.shape_cast %swap3A_67 : vector<1x16xf32> to vector<16xf32>
      %swap3A_69 = vector.shape_cast %mul3A_64 : vector<16xf32> to vector<1x16xf32>
      tpu.vector_store %arg7[%swap3A_65, %swap3A_66], %swap3A_69 {strides = array<i32>} : memref<152x96xf32, #tpu.memory_space<vmem>>, vector<1x16xf32>,
      %get3A_70 = arith.index_cast %min3A : i32 to index
      %get3A_71 = arith.constant 32 : index
      %get3A_72 = tpu.vector_load %arg6[%get3A_70, %get3A_71] {strides = array<i32>} : memref<512x96xf32, #tpu.memory_space<vmem>>, vector<1x16xf32>,
      %get3A_73 = vector.shape_cast %get3A_72 : vector<1x16xf32> to vector<16xf32>
      %mul3A_74 = vector.broadcast %squeeze3A_45 : f32 to vector<16xf32>
      %mul3A_75 = arith.mulf %get3A_73, %mul3A_74 : vector<16xf32>
      %swap3A_76 = arith.index_cast %scan3A_38 : i32 to index
      %swap3A_77 = arith.constant 32 : index
      %swap3A_78 = tpu.vector_load %arg7[%swap3A_76, %swap3A_77] {strides = array<i32>} : memref<152x96xf32, #tpu.memory_space<vmem>>, vector<1x16xf32>,
      %swap3A_79 = vector.shape_cast %swap3A_78 : vector<1x16xf32> to vector<16xf32>
      %swap3A_80 = vector.shape_cast %mul3A_75 : vector<16xf32> to vector<1x16xf32>
      tpu.vector_store %arg7[%swap3A_76, %swap3A_77], %swap3A_80 {strides = array<i32>} : memref<152x96xf32, #tpu.memory_space<vmem>>, vector<1x16xf32>,
      %get3A_81 = arith.index_cast %min3A : i32 to index
      %get3A_82 = arith.constant 48 : index
      %get3A_83 = tpu.vector_load %arg6[%get3A_81, %get3A_82] {strides = array<i32>} : memref<512x96xf32, #tpu.memory_space<vmem>>, vector<1x16xf32>,
      %get3A_84 = vector.shape_cast %get3A_83 : vector<1x16xf32> to vector<16xf32>
      %mul3A_85 = vector.broadcast %squeeze3A_45 : f32 to vector<16xf32>
      %mul3A_86 = arith.mulf %get3A_84, %mul3A_85 : vector<16xf32>
      %swap3A_87 = arith.index_cast %scan3A_38 : i32 to index
      %swap3A_88 = arith.constant 48 : index
      %swap3A_89 = tpu.vector_load %arg7[%swap3A_87, %swap3A_88] {strides = array<i32>} : memref<152x96xf32, #tpu.memory_space<vmem>>, vector<1x16xf32>,
      %swap3A_90 = vector.shape_cast %swap3A_89 : vector<1x16xf32> to vector<16xf32>
      %swap3A_91 = vector.shape_cast %mul3A_86 : vector<16xf32> to vector<1x16xf32>
      tpu.vector_store %arg7[%swap3A_87, %swap3A_88], %swap3A_91 {strides = array<i32>} : memref<152x96xf32, #tpu.memory_space<vmem>>, vector<1x16xf32>,
      %get3A_92 = arith.index_cast %min3A : i32 to index
      %get3A_93 = arith.constant 64 : index
      %get3A_94 = tpu.vector_load %arg6[%get3A_92, %get3A_93] {strides = array<i32>} : memref<512x96xf32, #tpu.memory_space<vmem>>, vector<1x16xf32>,
      %get3A_95 = vector.shape_cast %get3A_94 : vector<1x16xf32> to vector<16xf32>
      %mul3A_96 = vector.broadcast %squeeze3A_45 : f32 to vector<16xf32>
      %mul3A_97 = arith.mulf %get3A_95, %mul3A_96 : vector<16xf32>
      %swap3A_98 = arith.index_cast %scan3A_38 : i32 to index
      %swap3A_99 = arith.constant 64 : index
      %swap3A_100 = tpu.vector_load %arg7[%swap3A_98, %swap3A_99] {strides = array<i32>} : memref<152x96xf32, #tpu.memory_space<vmem>>, vector<1x16xf32>,
      %swap3A_101 = vector.shape_cast %swap3A_100 : vector<1x16xf32> to vector<16xf32>
      %swap3A_102 = vector.shape_cast %mul3A_97 : vector<16xf32> to vector<1x16xf32>
      tpu.vector_store %arg7[%swap3A_98, %swap3A_99], %swap3A_102 {strides = array<i32>} : memref<152x96xf32, #tpu.memory_space<vmem>>, vector<1x16xf32>,
      %get3A_103 = arith.index_cast %min3A : i32 to index
      %get3A_104 = arith.constant 80 : index
      %get3A_105 = tpu.vector_load %arg6[%get3A_103, %get3A_104] {strides = array<i32>} : memref<512x96xf32, #tpu.memory_space<vmem>>, vector<1x16xf32>,
      %get3A_106 = vector.shape_cast %get3A_105 : vector<1x16xf32> to vector<16xf32>
      %mul3A_107 = vector.broadcast %squeeze3A_45 : f32 to vector<16xf32>
      %mul3A_108 = arith.mulf %get3A_106, %mul3A_107 : vector<16xf32>
      %swap3A_109 = arith.index_cast %scan3A_38 : i32 to index
      %swap3A_110 = arith.constant 80 : index
      %swap3A_111 = tpu.vector_load %arg7[%swap3A_109, %swap3A_110] {strides = array<i32>} : memref<152x96xf32, #tpu.memory_space<vmem>>, vector<1x16xf32>,
      %swap3A_112 = vector.shape_cast %swap3A_111 : vector<1x16xf32> to vector<16xf32>
      %swap3A_113 = vector.shape_cast %mul3A_108 : vector<16xf32> to vector<1x16xf32>
      tpu.vector_store %arg7[%swap3A_109, %swap3A_110], %swap3A_113 {strides = array<i32>} : memref<152x96xf32, #tpu.memory_space<vmem>>, vector<1x16xf32>,
    }
    %scan3A_15 = arith.constant 150 : i32
    "tpu.region"() ({
      %run_scoped3A = tpu.sem_alloc : memref<!tpu.dma_semaphore, #tpu.memory_space<semaphore_mem>>
      %dma_start3A = arith.constant 512 : i32
      %dma_start3A_38 = arith.constant 0 : i32
      %dma_start3A_39 = tpu.memref_slice %arg2[%mul3A_2, %dma_start3A, %dma_start3A_38] : memref<64x1024x96xf32, #tpu.memory_space<hbm>> -> memref<1x512x96xf32, #tpu.memory_space<hbm>>
      %dma_start3A_40 = tpu.memref_squeeze %dma_start3A_39 : memref<1x512x96xf32, #tpu.memory_space<hbm>> -> memref<512x96xf32, #tpu.memory_space<hbm>>
      %dma_start3A_41 = arith.constant 512 : i32
      %dma_start3A_42 = arith.constant 0 : i32
      %dma_start3A_43 = tpu.memref_slice %arg2[%mul3A_2, %dma_start3A_41, %dma_start3A_42] : memref<64x1024x96xf32, #tpu.memory_space<hbm>> -> memref<1x512x96xf32, #tpu.memory_space<hbm>>
      %dma_start3A_44 = tpu.memref_squeeze %dma_start3A_43 : memref<1x512x96xf32, #tpu.memory_space<hbm>> -> memref<512x96xf32, #tpu.memory_space<hbm>>
      tpu.enqueue_dma source(%dma_start3A_44 : memref<512x96xf32, #tpu.memory_space<hbm>>) target(%arg6 : memref<512x96xf32, #tpu.memory_space<vmem>>) target_semaphore(%run_scoped3A : memref<!tpu.dma_semaphore, #tpu.memory_space<semaphore_mem>>)
      %dma_wait3A = arith.constant 512 : i32
      %dma_wait3A_45 = arith.constant 0 : i32
      %dma_wait3A_46 = tpu.memref_slice %arg2[%mul3A_2, %dma_wait3A, %dma_wait3A_45] : memref<64x1024x96xf32, #tpu.memory_space<hbm>> -> memref<1x512x96xf32, #tpu.memory_space<hbm>>
      %dma_wait3A_47 = tpu.memref_squeeze %dma_wait3A_46 : memref<1x512x96xf32, #tpu.memory_space<hbm>> -> memref<512x96xf32, #tpu.memory_space<hbm>>
      %dma_wait3A_48 = arith.constant 512 : i32
      %dma_wait3A_49 = arith.constant 0 : i32
      %dma_wait3A_50 = tpu.memref_slice %arg2[%mul3A_2, %dma_wait3A_48, %dma_wait3A_49] : memref<64x1024x96xf32, #tpu.memory_space<hbm>> -> memref<1x512x96xf32, #tpu.memory_space<hbm>>
      %dma_wait3A_51 = tpu.memref_squeeze %dma_wait3A_50 : memref<1x512x96xf32, #tpu.memory_space<hbm>> -> memref<512x96xf32, #tpu.memory_space<hbm>>
      tpu.wait_dma2 semaphore(%run_scoped3A : memref<!tpu.dma_semaphore, #tpu.memory_space<semaphore_mem>>) src(%dma_wait3A_51 : memref<512x96xf32, #tpu.memory_space<hbm>>) dst(%arg6 : memref<512x96xf32, #tpu.memory_space<vmem>>)
      tpu.yield
    }) : () -> ()
    %scan3A_16 = arith.constant 0 : i32
    %scan3A_17 = arith.constant 0 : i32
    %scan3A_18 = arith.constant 150 : i32
    %scan3A_19 = arith.addi %scan3A_17, %scan3A_18 : i32
    %scan3A_20 = arith.constant 1 : i32
    scf.for %scan3A_38 = %scan3A_17 to %scan3A_19 step %scan3A_20  : i32 {
      %get3A = arith.index_cast %scan3A_38 : i32 to index
      %get3A_39 = tpu.vector_load %arg8[%get3A] {strides = array<i32>} : memref<176xi32, #tpu.memory_space<vmem>>, vector<16xi32>,
      %get3A_40 = vector.shape_cast %get3A_39 : vector<16xi32> to vector<16xi32>
      %slice3A = vector.extract_strided_slice %get3A_40 {offsets = [0], sizes = [1], strides = [1]} : vector<16xi32> to vector<1xi32>
      %squeeze3A = vector.extract %slice3A[0] : i32 from vector<1xi32>
      %get3A_41 = arith.index_cast %scan3A_38 : i32 to index
      %get3A_42 = tpu.vector_load %arg9[%get3A_41] {strides = array<i32>} : memref<176xf32, #tpu.memory_space<vmem>>, vector<16xf32>,
      %get3A_43 = vector.shape_cast %get3A_42 : vector<16xf32> to vector<16xf32>
      %slice3A_44 = vector.extract_strided_slice %get3A_43 {offsets = [0], sizes = [1], strides = [1]} : vector<16xf32> to vector<1xf32>
      %squeeze3A_45 = vector.extract %slice3A_44[0] : f32 from vector<1xf32>
      %sub3A = arith.constant 512 : i32
      %sub3A_46 = arith.subi %squeeze3A, %sub3A : i32
      %jit3A = arith.constant 0 : i32
      %jit3A_47 = arith.constant 511 : i32
      %max3A = arith.maxsi %jit3A, %sub3A_46 : i32
      %min3A = arith.minsi %jit3A_47, %max3A : i32
      %ge3A = arith.constant 512 : i32
      %ge3A_48 = arith.cmpi sge, %squeeze3A, %ge3A : i32
      %get3A_49 = arith.index_cast %min3A : i32 to index
      %get3A_50 = arith.constant 0 : index
      %get3A_51 = tpu.vector_load %arg6[%get3A_49, %get3A_50] {strides = array<i32>} : memref<512x96xf32, #tpu.memory_space<vmem>>, vector<1x16xf32>,
      %get3A_52 = vector.shape_cast %get3A_51 : vector<1x16xf32> to vector<16xf32>
      %mul3A_53 = vector.broadcast %squeeze3A_45 : f32 to vector<16xf32>
      %mul3A_54 = arith.mulf %get3A_52, %mul3A_53 : vector<16xf32>
      %get3A_55 = arith.index_cast %scan3A_38 : i32 to index
      %get3A_56 = arith.constant 0 : index
      %get3A_57 = tpu.vector_load %arg7[%get3A_55, %get3A_56] {strides = array<i32>} : memref<152x96xf32, #tpu.memory_space<vmem>>, vector<1x16xf32>,
      %get3A_58 = vector.shape_cast %get3A_57 : vector<1x16xf32> to vector<16xf32>
      %select_n3A = arith.select %ge3A_48, %mul3A_54, %get3A_58 : vector<16xf32>
      %swap3A = arith.index_cast %scan3A_38 : i32 to index
      %swap3A_59 = arith.constant 0 : index
      %swap3A_60 = tpu.vector_load %arg7[%swap3A, %swap3A_59] {strides = array<i32>} : memref<152x96xf32, #tpu.memory_space<vmem>>, vector<1x16xf32>,
      %swap3A_61 = vector.shape_cast %swap3A_60 : vector<1x16xf32> to vector<16xf32>
      %swap3A_62 = vector.shape_cast %select_n3A : vector<16xf32> to vector<1x16xf32>
      tpu.vector_store %arg7[%swap3A, %swap3A_59], %swap3A_62 {strides = array<i32>} : memref<152x96xf32, #tpu.memory_space<vmem>>, vector<1x16xf32>,
      %get3A_63 = arith.index_cast %min3A : i32 to index
      %get3A_64 = arith.constant 16 : index
      %get3A_65 = tpu.vector_load %arg6[%get3A_63, %get3A_64] {strides = array<i32>} : memref<512x96xf32, #tpu.memory_space<vmem>>, vector<1x16xf32>,
      %get3A_66 = vector.shape_cast %get3A_65 : vector<1x16xf32> to vector<16xf32>
      %mul3A_67 = vector.broadcast %squeeze3A_45 : f32 to vector<16xf32>
      %mul3A_68 = arith.mulf %get3A_66, %mul3A_67 : vector<16xf32>
      %get3A_69 = arith.index_cast %scan3A_38 : i32 to index
      %get3A_70 = arith.constant 16 : index
      %get3A_71 = tpu.vector_load %arg7[%get3A_69, %get3A_70] {strides = array<i32>} : memref<152x96xf32, #tpu.memory_space<vmem>>, vector<1x16xf32>,
      %get3A_72 = vector.shape_cast %get3A_71 : vector<1x16xf32> to vector<16xf32>
      %select_n3A_73 = arith.select %ge3A_48, %mul3A_68, %get3A_72 : vector<16xf32>
      %swap3A_74 = arith.index_cast %scan3A_38 : i32 to index
      %swap3A_75 = arith.constant 16 : index
      %swap3A_76 = tpu.vector_load %arg7[%swap3A_74, %swap3A_75] {strides = array<i32>} : memref<152x96xf32, #tpu.memory_space<vmem>>, vector<1x16xf32>,
      %swap3A_77 = vector.shape_cast %swap3A_76 : vector<1x16xf32> to vector<16xf32>
      %swap3A_78 = vector.shape_cast %select_n3A_73 : vector<16xf32> to vector<1x16xf32>
      tpu.vector_store %arg7[%swap3A_74, %swap3A_75], %swap3A_78 {strides = array<i32>} : memref<152x96xf32, #tpu.memory_space<vmem>>, vector<1x16xf32>,
      %get3A_79 = arith.index_cast %min3A : i32 to index
      %get3A_80 = arith.constant 32 : index
      %get3A_81 = tpu.vector_load %arg6[%get3A_79, %get3A_80] {strides = array<i32>} : memref<512x96xf32, #tpu.memory_space<vmem>>, vector<1x16xf32>,
      %get3A_82 = vector.shape_cast %get3A_81 : vector<1x16xf32> to vector<16xf32>
      %mul3A_83 = vector.broadcast %squeeze3A_45 : f32 to vector<16xf32>
      %mul3A_84 = arith.mulf %get3A_82, %mul3A_83 : vector<16xf32>
      %get3A_85 = arith.index_cast %scan3A_38 : i32 to index
      %get3A_86 = arith.constant 32 : index
      %get3A_87 = tpu.vector_load %arg7[%get3A_85, %get3A_86] {strides = array<i32>} : memref<152x96xf32, #tpu.memory_space<vmem>>, vector<1x16xf32>,
      %get3A_88 = vector.shape_cast %get3A_87 : vector<1x16xf32> to vector<16xf32>
      %select_n3A_89 = arith.select %ge3A_48, %mul3A_84, %get3A_88 : vector<16xf32>
      %swap3A_90 = arith.index_cast %scan3A_38 : i32 to index
      %swap3A_91 = arith.constant 32 : index
      %swap3A_92 = tpu.vector_load %arg7[%swap3A_90, %swap3A_91] {strides = array<i32>} : memref<152x96xf32, #tpu.memory_space<vmem>>, vector<1x16xf32>,
      %swap3A_93 = vector.shape_cast %swap3A_92 : vector<1x16xf32> to vector<16xf32>
      %swap3A_94 = vector.shape_cast %select_n3A_89 : vector<16xf32> to vector<1x16xf32>
      tpu.vector_store %arg7[%swap3A_90, %swap3A_91], %swap3A_94 {strides = array<i32>} : memref<152x96xf32, #tpu.memory_space<vmem>>, vector<1x16xf32>,
      %get3A_95 = arith.index_cast %min3A : i32 to index
      %get3A_96 = arith.constant 48 : index
      %get3A_97 = tpu.vector_load %arg6[%get3A_95, %get3A_96] {strides = array<i32>} : memref<512x96xf32, #tpu.memory_space<vmem>>, vector<1x16xf32>,
      %get3A_98 = vector.shape_cast %get3A_97 : vector<1x16xf32> to vector<16xf32>
      %mul3A_99 = vector.broadcast %squeeze3A_45 : f32 to vector<16xf32>
      %mul3A_100 = arith.mulf %get3A_98, %mul3A_99 : vector<16xf32>
      %get3A_101 = arith.index_cast %scan3A_38 : i32 to index
      %get3A_102 = arith.constant 48 : index
      %get3A_103 = tpu.vector_load %arg7[%get3A_101, %get3A_102] {strides = array<i32>} : memref<152x96xf32, #tpu.memory_space<vmem>>, vector<1x16xf32>,
      %get3A_104 = vector.shape_cast %get3A_103 : vector<1x16xf32> to vector<16xf32>
      %select_n3A_105 = arith.select %ge3A_48, %mul3A_100, %get3A_104 : vector<16xf32>
      %swap3A_106 = arith.index_cast %scan3A_38 : i32 to index
      %swap3A_107 = arith.constant 48 : index
      %swap3A_108 = tpu.vector_load %arg7[%swap3A_106, %swap3A_107] {strides = array<i32>} : memref<152x96xf32, #tpu.memory_space<vmem>>, vector<1x16xf32>,
      %swap3A_109 = vector.shape_cast %swap3A_108 : vector<1x16xf32> to vector<16xf32>
      %swap3A_110 = vector.shape_cast %select_n3A_105 : vector<16xf32> to vector<1x16xf32>
      tpu.vector_store %arg7[%swap3A_106, %swap3A_107], %swap3A_110 {strides = array<i32>} : memref<152x96xf32, #tpu.memory_space<vmem>>, vector<1x16xf32>,
      %get3A_111 = arith.index_cast %min3A : i32 to index
      %get3A_112 = arith.constant 64 : index
      %get3A_113 = tpu.vector_load %arg6[%get3A_111, %get3A_112] {strides = array<i32>} : memref<512x96xf32, #tpu.memory_space<vmem>>, vector<1x16xf32>,
      %get3A_114 = vector.shape_cast %get3A_113 : vector<1x16xf32> to vector<16xf32>
      %mul3A_115 = vector.broadcast %squeeze3A_45 : f32 to vector<16xf32>
      %mul3A_116 = arith.mulf %get3A_114, %mul3A_115 : vector<16xf32>
      %get3A_117 = arith.index_cast %scan3A_38 : i32 to index
      %get3A_118 = arith.constant 64 : index
      %get3A_119 = tpu.vector_load %arg7[%get3A_117, %get3A_118] {strides = array<i32>} : memref<152x96xf32, #tpu.memory_space<vmem>>, vector<1x16xf32>,
      %get3A_120 = vector.shape_cast %get3A_119 : vector<1x16xf32> to vector<16xf32>
      %select_n3A_121 = arith.select %ge3A_48, %mul3A_116, %get3A_120 : vector<16xf32>
      %swap3A_122 = arith.index_cast %scan3A_38 : i32 to index
      %swap3A_123 = arith.constant 64 : index
      %swap3A_124 = tpu.vector_load %arg7[%swap3A_122, %swap3A_123] {strides = array<i32>} : memref<152x96xf32, #tpu.memory_space<vmem>>, vector<1x16xf32>,
      %swap3A_125 = vector.shape_cast %swap3A_124 : vector<1x16xf32> to vector<16xf32>
      %swap3A_126 = vector.shape_cast %select_n3A_121 : vector<16xf32> to vector<1x16xf32>
      tpu.vector_store %arg7[%swap3A_122, %swap3A_123], %swap3A_126 {strides = array<i32>} : memref<152x96xf32, #tpu.memory_space<vmem>>, vector<1x16xf32>,
      %get3A_127 = arith.index_cast %min3A : i32 to index
      %get3A_128 = arith.constant 80 : index
      %get3A_129 = tpu.vector_load %arg6[%get3A_127, %get3A_128] {strides = array<i32>} : memref<512x96xf32, #tpu.memory_space<vmem>>, vector<1x16xf32>,
      %get3A_130 = vector.shape_cast %get3A_129 : vector<1x16xf32> to vector<16xf32>
      %mul3A_131 = vector.broadcast %squeeze3A_45 : f32 to vector<16xf32>
      %mul3A_132 = arith.mulf %get3A_130, %mul3A_131 : vector<16xf32>
      %get3A_133 = arith.index_cast %scan3A_38 : i32 to index
      %get3A_134 = arith.constant 80 : index
      %get3A_135 = tpu.vector_load %arg7[%get3A_133, %get3A_134] {strides = array<i32>} : memref<152x96xf32, #tpu.memory_space<vmem>>, vector<1x16xf32>,
      %get3A_136 = vector.shape_cast %get3A_135 : vector<1x16xf32> to vector<16xf32>
      %select_n3A_137 = arith.select %ge3A_48, %mul3A_132, %get3A_136 : vector<16xf32>
      %swap3A_138 = arith.index_cast %scan3A_38 : i32 to index
      %swap3A_139 = arith.constant 80 : index
      %swap3A_140 = tpu.vector_load %arg7[%swap3A_138, %swap3A_139] {strides = array<i32>} : memref<152x96xf32, #tpu.memory_space<vmem>>, vector<1x16xf32>,
      %swap3A_141 = vector.shape_cast %swap3A_140 : vector<1x16xf32> to vector<16xf32>
      %swap3A_142 = vector.shape_cast %select_n3A_137 : vector<16xf32> to vector<1x16xf32>
      tpu.vector_store %arg7[%swap3A_138, %swap3A_139], %swap3A_142 {strides = array<i32>} : memref<152x96xf32, #tpu.memory_space<vmem>>, vector<1x16xf32>,
    }
    %scan3A_21 = arith.constant 150 : i32
    "tpu.region"() ({
      %run_scoped3A = tpu.sem_alloc : memref<!tpu.dma_semaphore, #tpu.memory_space<semaphore_mem>>
      %dma_start3A = arith.constant 0 : i32
      %dma_start3A_38 = arith.constant 0 : i32
      %dma_start3A_39 = tpu.memref_slice %arg7[%dma_start3A, %dma_start3A_38] : memref<152x96xf32, #tpu.memory_space<vmem>> -> memref<150x96xf32, #tpu.memory_space<vmem>>
      %dma_start3A_40 = arith.constant 0 : i32
      %dma_start3A_41 = arith.constant 0 : i32
      %dma_start3A_42 = tpu.memref_slice %arg5[%mul3A_2, %dma_start3A_40, %dma_start3A_41] : memref<64x150x96xf32, #tpu.memory_space<hbm>> -> memref<1x150x96xf32, #tpu.memory_space<hbm>>
      %dma_start3A_43 = tpu.memref_squeeze %dma_start3A_42 : memref<1x150x96xf32, #tpu.memory_space<hbm>> -> memref<150x96xf32, #tpu.memory_space<hbm>>
      %dma_start3A_44 = arith.constant 0 : i32
      %dma_start3A_45 = arith.constant 0 : i32
      %dma_start3A_46 = tpu.memref_slice %arg5[%mul3A_2, %dma_start3A_44, %dma_start3A_45] : memref<64x150x96xf32, #tpu.memory_space<hbm>> -> memref<1x150x96xf32, #tpu.memory_space<hbm>>
      %dma_start3A_47 = tpu.memref_squeeze %dma_start3A_46 : memref<1x150x96xf32, #tpu.memory_space<hbm>> -> memref<150x96xf32, #tpu.memory_space<hbm>>
      %dma_start3A_48 = arith.constant 0 : i32
      %dma_start3A_49 = arith.constant 0 : i32
      %dma_start3A_50 = tpu.memref_slice %arg7[%dma_start3A_48, %dma_start3A_49] : memref<152x96xf32, #tpu.memory_space<vmem>> -> memref<150x96xf32, #tpu.memory_space<vmem>>
      tpu.enqueue_dma source(%dma_start3A_50 : memref<150x96xf32, #tpu.memory_space<vmem>>) target(%dma_start3A_47 : memref<150x96xf32, #tpu.memory_space<hbm>>) target_semaphore(%run_scoped3A : memref<!tpu.dma_semaphore, #tpu.memory_space<semaphore_mem>>)
      %dma_wait3A = arith.constant 0 : i32
      %dma_wait3A_51 = arith.constant 0 : i32
      %dma_wait3A_52 = tpu.memref_slice %arg7[%dma_wait3A, %dma_wait3A_51] : memref<152x96xf32, #tpu.memory_space<vmem>> -> memref<150x96xf32, #tpu.memory_space<vmem>>
      %dma_wait3A_53 = arith.constant 0 : i32
      %dma_wait3A_54 = arith.constant 0 : i32
      %dma_wait3A_55 = tpu.memref_slice %arg5[%mul3A_2, %dma_wait3A_53, %dma_wait3A_54] : memref<64x150x96xf32, #tpu.memory_space<hbm>> -> memref<1x150x96xf32, #tpu.memory_space<hbm>>
      %dma_wait3A_56 = tpu.memref_squeeze %dma_wait3A_55 : memref<1x150x96xf32, #tpu.memory_space<hbm>> -> memref<150x96xf32, #tpu.memory_space<hbm>>
      %dma_wait3A_57 = arith.constant 0 : i32
      %dma_wait3A_58 = arith.constant 0 : i32
      %dma_wait3A_59 = tpu.memref_slice %arg5[%mul3A_2, %dma_wait3A_57, %dma_wait3A_58] : memref<64x150x96xf32, #tpu.memory_space<hbm>> -> memref<1x150x96xf32, #tpu.memory_space<hbm>>
      %dma_wait3A_60 = tpu.memref_squeeze %dma_wait3A_59 : memref<1x150x96xf32, #tpu.memory_space<hbm>> -> memref<150x96xf32, #tpu.memory_space<hbm>>
      %dma_wait3A_61 = arith.constant 0 : i32
      %dma_wait3A_62 = arith.constant 0 : i32
      %dma_wait3A_63 = tpu.memref_slice %arg7[%dma_wait3A_61, %dma_wait3A_62] : memref<152x96xf32, #tpu.memory_space<vmem>> -> memref<150x96xf32, #tpu.memory_space<vmem>>
      tpu.wait_dma2 semaphore(%run_scoped3A : memref<!tpu.dma_semaphore, #tpu.memory_space<semaphore_mem>>) src(%dma_wait3A_63 : memref<150x96xf32, #tpu.memory_space<vmem>>) dst(%dma_wait3A_60 : memref<150x96xf32, #tpu.memory_space<hbm>>)
      tpu.yield
    }) : () -> ()
    %mul3A_22 = arith.constant 152 : i32
    %mul3A_23 = arith.muli %add3A_6, %mul3A_22 : i32
    "tpu.region"() ({
      %run_scoped3A = tpu.sem_alloc : memref<!tpu.dma_semaphore, #tpu.memory_space<semaphore_mem>>
      %dma_start3A = arith.constant 0 : i32
      %dma_start3A_38 = tpu.memref_slice %arg8[%dma_start3A] : memref<176xi32, #tpu.memory_space<vmem>> -> memref<152xi32, #tpu.memory_space<vmem>>
      %dma_start3A_39 = tpu.memref_slice %arg3[%mul3A_23] : memref<9728xi32, #tpu.memory_space<hbm>> -> memref<152xi32, #tpu.memory_space<hbm>>
      %dma_start3A_40 = arith.constant 0 : i32
      %dma_start3A_41 = tpu.memref_slice %arg8[%dma_start3A_40] : memref<176xi32, #tpu.memory_space<vmem>> -> memref<152xi32, #tpu.memory_space<vmem>>
      %dma_start3A_42 = tpu.memref_slice %arg3[%mul3A_23] : memref<9728xi32, #tpu.memory_space<hbm>> -> memref<152xi32, #tpu.memory_space<hbm>>
      tpu.enqueue_dma source(%dma_start3A_42 : memref<152xi32, #tpu.memory_space<hbm>>) target(%dma_start3A_41 : memref<152xi32, #tpu.memory_space<vmem>>) target_semaphore(%run_scoped3A : memref<!tpu.dma_semaphore, #tpu.memory_space<semaphore_mem>>)
      %dma_wait3A = arith.constant 0 : i32
      %dma_wait3A_43 = tpu.memref_slice %arg8[%dma_wait3A] : memref<176xi32, #tpu.memory_space<vmem>> -> memref<152xi32, #tpu.memory_space<vmem>>
      %dma_wait3A_44 = tpu.memref_slice %arg3[%mul3A_23] : memref<9728xi32, #tpu.memory_space<hbm>> -> memref<152xi32, #tpu.memory_space<hbm>>
      %dma_wait3A_45 = arith.constant 0 : i32
      %dma_wait3A_46 = tpu.memref_slice %arg8[%dma_wait3A_45] : memref<176xi32, #tpu.memory_space<vmem>> -> memref<152xi32, #tpu.memory_space<vmem>>
      %dma_wait3A_47 = tpu.memref_slice %arg3[%mul3A_23] : memref<9728xi32, #tpu.memory_space<hbm>> -> memref<152xi32, #tpu.memory_space<hbm>>
      tpu.wait_dma2 semaphore(%run_scoped3A : memref<!tpu.dma_semaphore, #tpu.memory_space<semaphore_mem>>) src(%dma_wait3A_47 : memref<152xi32, #tpu.memory_space<hbm>>) dst(%dma_wait3A_46 : memref<152xi32, #tpu.memory_space<vmem>>)
      tpu.yield
    }) : () -> ()
    %mul3A_24 = arith.constant 152 : i32
    %mul3A_25 = arith.muli %add3A_6, %mul3A_24 : i32
    "tpu.region"() ({
      %run_scoped3A = tpu.sem_alloc : memref<!tpu.dma_semaphore, #tpu.memory_space<semaphore_mem>>
      %dma_start3A = arith.constant 0 : i32
      %dma_start3A_38 = tpu.memref_slice %arg9[%dma_start3A] : memref<176xf32, #tpu.memory_space<vmem>> -> memref<152xf32, #tpu.memory_space<vmem>>
      %dma_start3A_39 = tpu.memref_slice %arg4[%mul3A_25] : memref<9728xf32, #tpu.memory_space<hbm>> -> memref<152xf32, #tpu.memory_space<hbm>>
      %dma_start3A_40 = arith.constant 0 : i32
      %dma_start3A_41 = tpu.memref_slice %arg9[%dma_start3A_40] : memref<176xf32, #tpu.memory_space<vmem>> -> memref<152xf32, #tpu.memory_space<vmem>>
      %dma_start3A_42 = tpu.memref_slice %arg4[%mul3A_25] : memref<9728xf32, #tpu.memory_space<hbm>> -> memref<152xf32, #tpu.memory_space<hbm>>
      tpu.enqueue_dma source(%dma_start3A_42 : memref<152xf32, #tpu.memory_space<hbm>>) target(%dma_start3A_41 : memref<152xf32, #tpu.memory_space<vmem>>) target_semaphore(%run_scoped3A : memref<!tpu.dma_semaphore, #tpu.memory_space<semaphore_mem>>)
      %dma_wait3A = arith.constant 0 : i32
      %dma_wait3A_43 = tpu.memref_slice %arg9[%dma_wait3A] : memref<176xf32, #tpu.memory_space<vmem>> -> memref<152xf32, #tpu.memory_space<vmem>>
      %dma_wait3A_44 = tpu.memref_slice %arg4[%mul3A_25] : memref<9728xf32, #tpu.memory_space<hbm>> -> memref<152xf32, #tpu.memory_space<hbm>>
      %dma_wait3A_45 = arith.constant 0 : i32
      %dma_wait3A_46 = tpu.memref_slice %arg9[%dma_wait3A_45] : memref<176xf32, #tpu.memory_space<vmem>> -> memref<152xf32, #tpu.memory_space<vmem>>
      %dma_wait3A_47 = tpu.memref_slice %arg4[%mul3A_25] : memref<9728xf32, #tpu.memory_space<hbm>> -> memref<152xf32, #tpu.memory_space<hbm>>
      tpu.wait_dma2 semaphore(%run_scoped3A : memref<!tpu.dma_semaphore, #tpu.memory_space<semaphore_mem>>) src(%dma_wait3A_47 : memref<152xf32, #tpu.memory_space<hbm>>) dst(%dma_wait3A_46 : memref<152xf32, #tpu.memory_space<vmem>>)
      tpu.yield
    }) : () -> ()
    "tpu.region"() ({
      %run_scoped3A = tpu.sem_alloc : memref<!tpu.dma_semaphore, #tpu.memory_space<semaphore_mem>>
      %dma_start3A = arith.constant 0 : i32
      %dma_start3A_38 = arith.constant 0 : i32
      %dma_start3A_39 = tpu.memref_slice %arg2[%add3A_6, %dma_start3A, %dma_start3A_38] : memref<64x1024x96xf32, #tpu.memory_space<hbm>> -> memref<1x512x96xf32, #tpu.memory_space<hbm>>
      %dma_start3A_40 = tpu.memref_squeeze %dma_start3A_39 : memref<1x512x96xf32, #tpu.memory_space<hbm>> -> memref<512x96xf32, #tpu.memory_space<hbm>>
      %dma_start3A_41 = arith.constant 0 : i32
      %dma_start3A_42 = arith.constant 0 : i32
      %dma_start3A_43 = tpu.memref_slice %arg2[%add3A_6, %dma_start3A_41, %dma_start3A_42] : memref<64x1024x96xf32, #tpu.memory_space<hbm>> -> memref<1x512x96xf32, #tpu.memory_space<hbm>>
      %dma_start3A_44 = tpu.memref_squeeze %dma_start3A_43 : memref<1x512x96xf32, #tpu.memory_space<hbm>> -> memref<512x96xf32, #tpu.memory_space<hbm>>
      tpu.enqueue_dma source(%dma_start3A_44 : memref<512x96xf32, #tpu.memory_space<hbm>>) target(%arg6 : memref<512x96xf32, #tpu.memory_space<vmem>>) target_semaphore(%run_scoped3A : memref<!tpu.dma_semaphore, #tpu.memory_space<semaphore_mem>>)
      %dma_wait3A = arith.constant 0 : i32
      %dma_wait3A_45 = arith.constant 0 : i32
      %dma_wait3A_46 = tpu.memref_slice %arg2[%add3A_6, %dma_wait3A, %dma_wait3A_45] : memref<64x1024x96xf32, #tpu.memory_space<hbm>> -> memref<1x512x96xf32, #tpu.memory_space<hbm>>
      %dma_wait3A_47 = tpu.memref_squeeze %dma_wait3A_46 : memref<1x512x96xf32, #tpu.memory_space<hbm>> -> memref<512x96xf32, #tpu.memory_space<hbm>>
      %dma_wait3A_48 = arith.constant 0 : i32
      %dma_wait3A_49 = arith.constant 0 : i32
      %dma_wait3A_50 = tpu.memref_slice %arg2[%add3A_6, %dma_wait3A_48, %dma_wait3A_49] : memref<64x1024x96xf32, #tpu.memory_space<hbm>> -> memref<1x512x96xf32, #tpu.memory_space<hbm>>
      %dma_wait3A_51 = tpu.memref_squeeze %dma_wait3A_50 : memref<1x512x96xf32, #tpu.memory_space<hbm>> -> memref<512x96xf32, #tpu.memory_space<hbm>>
      tpu.wait_dma2 semaphore(%run_scoped3A : memref<!tpu.dma_semaphore, #tpu.memory_space<semaphore_mem>>) src(%dma_wait3A_51 : memref<512x96xf32, #tpu.memory_space<hbm>>) dst(%arg6 : memref<512x96xf32, #tpu.memory_space<vmem>>)
      tpu.yield
    }) : () -> ()
    %scan3A_26 = arith.constant 0 : i32
    %scan3A_27 = arith.constant 0 : i32
    %scan3A_28 = arith.constant 150 : i32
    %scan3A_29 = arith.addi %scan3A_27, %scan3A_28 : i32
    %scan3A_30 = arith.constant 1 : i32
    scf.for %scan3A_38 = %scan3A_27 to %scan3A_29 step %scan3A_30  : i32 {
      %get3A = arith.index_cast %scan3A_38 : i32 to index
      %get3A_39 = tpu.vector_load %arg8[%get3A] {strides = array<i32>} : memref<176xi32, #tpu.memory_space<vmem>>, vector<16xi32>,
      %get3A_40 = vector.shape_cast %get3A_39 : vector<16xi32> to vector<16xi32>
      %slice3A = vector.extract_strided_slice %get3A_40 {offsets = [0], sizes = [1], strides = [1]} : vector<16xi32> to vector<1xi32>
      %squeeze3A = vector.extract %slice3A[0] : i32 from vector<1xi32>
      %get3A_41 = arith.index_cast %scan3A_38 : i32 to index
      %get3A_42 = tpu.vector_load %arg9[%get3A_41] {strides = array<i32>} : memref<176xf32, #tpu.memory_space<vmem>>, vector<16xf32>,
      %get3A_43 = vector.shape_cast %get3A_42 : vector<16xf32> to vector<16xf32>
      %slice3A_44 = vector.extract_strided_slice %get3A_43 {offsets = [0], sizes = [1], strides = [1]} : vector<16xf32> to vector<1xf32>
      %squeeze3A_45 = vector.extract %slice3A_44[0] : f32 from vector<1xf32>
      %sub3A = arith.constant 0 : i32
      %sub3A_46 = arith.subi %squeeze3A, %sub3A : i32
      %jit3A = arith.constant 0 : i32
      %jit3A_47 = arith.constant 511 : i32
      %max3A = arith.maxsi %jit3A, %sub3A_46 : i32
      %min3A = arith.minsi %jit3A_47, %max3A : i32
      %ge3A = arith.constant 512 : i32
      %ge3A_48 = arith.cmpi sge, %squeeze3A, %ge3A : i32
      %get3A_49 = arith.index_cast %min3A : i32 to index
      %get3A_50 = arith.constant 0 : index
      %get3A_51 = tpu.vector_load %arg6[%get3A_49, %get3A_50] {strides = array<i32>} : memref<512x96xf32, #tpu.memory_space<vmem>>, vector<1x16xf32>,
      %get3A_52 = vector.shape_cast %get3A_51 : vector<1x16xf32> to vector<16xf32>
      %mul3A_53 = vector.broadcast %squeeze3A_45 : f32 to vector<16xf32>
      %mul3A_54 = arith.mulf %get3A_52, %mul3A_53 : vector<16xf32>
      %swap3A = arith.index_cast %scan3A_38 : i32 to index
      %swap3A_55 = arith.constant 0 : index
      %swap3A_56 = tpu.vector_load %arg7[%swap3A, %swap3A_55] {strides = array<i32>} : memref<152x96xf32, #tpu.memory_space<vmem>>, vector<1x16xf32>,
      %swap3A_57 = vector.shape_cast %swap3A_56 : vector<1x16xf32> to vector<16xf32>
      %swap3A_58 = vector.shape_cast %mul3A_54 : vector<16xf32> to vector<1x16xf32>
      tpu.vector_store %arg7[%swap3A, %swap3A_55], %swap3A_58 {strides = array<i32>} : memref<152x96xf32, #tpu.memory_space<vmem>>, vector<1x16xf32>,
      %get3A_59 = arith.index_cast %min3A : i32 to index
      %get3A_60 = arith.constant 16 : index
      %get3A_61 = tpu.vector_load %arg6[%get3A_59, %get3A_60] {strides = array<i32>} : memref<512x96xf32, #tpu.memory_space<vmem>>, vector<1x16xf32>,
      %get3A_62 = vector.shape_cast %get3A_61 : vector<1x16xf32> to vector<16xf32>
      %mul3A_63 = vector.broadcast %squeeze3A_45 : f32 to vector<16xf32>
      %mul3A_64 = arith.mulf %get3A_62, %mul3A_63 : vector<16xf32>
      %swap3A_65 = arith.index_cast %scan3A_38 : i32 to index
      %swap3A_66 = arith.constant 16 : index
      %swap3A_67 = tpu.vector_load %arg7[%swap3A_65, %swap3A_66] {strides = array<i32>} : memref<152x96xf32, #tpu.memory_space<vmem>>, vector<1x16xf32>,
      %swap3A_68 = vector.shape_cast %swap3A_67 : vector<1x16xf32> to vector<16xf32>
      %swap3A_69 = vector.shape_cast %mul3A_64 : vector<16xf32> to vector<1x16xf32>
      tpu.vector_store %arg7[%swap3A_65, %swap3A_66], %swap3A_69 {strides = array<i32>} : memref<152x96xf32, #tpu.memory_space<vmem>>, vector<1x16xf32>,
      %get3A_70 = arith.index_cast %min3A : i32 to index
      %get3A_71 = arith.constant 32 : index
      %get3A_72 = tpu.vector_load %arg6[%get3A_70, %get3A_71] {strides = array<i32>} : memref<512x96xf32, #tpu.memory_space<vmem>>, vector<1x16xf32>,
      %get3A_73 = vector.shape_cast %get3A_72 : vector<1x16xf32> to vector<16xf32>
      %mul3A_74 = vector.broadcast %squeeze3A_45 : f32 to vector<16xf32>
      %mul3A_75 = arith.mulf %get3A_73, %mul3A_74 : vector<16xf32>
      %swap3A_76 = arith.index_cast %scan3A_38 : i32 to index
      %swap3A_77 = arith.constant 32 : index
      %swap3A_78 = tpu.vector_load %arg7[%swap3A_76, %swap3A_77] {strides = array<i32>} : memref<152x96xf32, #tpu.memory_space<vmem>>, vector<1x16xf32>,
      %swap3A_79 = vector.shape_cast %swap3A_78 : vector<1x16xf32> to vector<16xf32>
      %swap3A_80 = vector.shape_cast %mul3A_75 : vector<16xf32> to vector<1x16xf32>
      tpu.vector_store %arg7[%swap3A_76, %swap3A_77], %swap3A_80 {strides = array<i32>} : memref<152x96xf32, #tpu.memory_space<vmem>>, vector<1x16xf32>,
      %get3A_81 = arith.index_cast %min3A : i32 to index
      %get3A_82 = arith.constant 48 : index
      %get3A_83 = tpu.vector_load %arg6[%get3A_81, %get3A_82] {strides = array<i32>} : memref<512x96xf32, #tpu.memory_space<vmem>>, vector<1x16xf32>,
      %get3A_84 = vector.shape_cast %get3A_83 : vector<1x16xf32> to vector<16xf32>
      %mul3A_85 = vector.broadcast %squeeze3A_45 : f32 to vector<16xf32>
      %mul3A_86 = arith.mulf %get3A_84, %mul3A_85 : vector<16xf32>
      %swap3A_87 = arith.index_cast %scan3A_38 : i32 to index
      %swap3A_88 = arith.constant 48 : index
      %swap3A_89 = tpu.vector_load %arg7[%swap3A_87, %swap3A_88] {strides = array<i32>} : memref<152x96xf32, #tpu.memory_space<vmem>>, vector<1x16xf32>,
      %swap3A_90 = vector.shape_cast %swap3A_89 : vector<1x16xf32> to vector<16xf32>
      %swap3A_91 = vector.shape_cast %mul3A_86 : vector<16xf32> to vector<1x16xf32>
      tpu.vector_store %arg7[%swap3A_87, %swap3A_88], %swap3A_91 {strides = array<i32>} : memref<152x96xf32, #tpu.memory_space<vmem>>, vector<1x16xf32>,
      %get3A_92 = arith.index_cast %min3A : i32 to index
      %get3A_93 = arith.constant 64 : index
      %get3A_94 = tpu.vector_load %arg6[%get3A_92, %get3A_93] {strides = array<i32>} : memref<512x96xf32, #tpu.memory_space<vmem>>, vector<1x16xf32>,
      %get3A_95 = vector.shape_cast %get3A_94 : vector<1x16xf32> to vector<16xf32>
      %mul3A_96 = vector.broadcast %squeeze3A_45 : f32 to vector<16xf32>
      %mul3A_97 = arith.mulf %get3A_95, %mul3A_96 : vector<16xf32>
      %swap3A_98 = arith.index_cast %scan3A_38 : i32 to index
      %swap3A_99 = arith.constant 64 : index
      %swap3A_100 = tpu.vector_load %arg7[%swap3A_98, %swap3A_99] {strides = array<i32>} : memref<152x96xf32, #tpu.memory_space<vmem>>, vector<1x16xf32>,
      %swap3A_101 = vector.shape_cast %swap3A_100 : vector<1x16xf32> to vector<16xf32>
      %swap3A_102 = vector.shape_cast %mul3A_97 : vector<16xf32> to vector<1x16xf32>
      tpu.vector_store %arg7[%swap3A_98, %swap3A_99], %swap3A_102 {strides = array<i32>} : memref<152x96xf32, #tpu.memory_space<vmem>>, vector<1x16xf32>,
      %get3A_103 = arith.index_cast %min3A : i32 to index
      %get3A_104 = arith.constant 80 : index
      %get3A_105 = tpu.vector_load %arg6[%get3A_103, %get3A_104] {strides = array<i32>} : memref<512x96xf32, #tpu.memory_space<vmem>>, vector<1x16xf32>,
      %get3A_106 = vector.shape_cast %get3A_105 : vector<1x16xf32> to vector<16xf32>
      %mul3A_107 = vector.broadcast %squeeze3A_45 : f32 to vector<16xf32>
      %mul3A_108 = arith.mulf %get3A_106, %mul3A_107 : vector<16xf32>
      %swap3A_109 = arith.index_cast %scan3A_38 : i32 to index
      %swap3A_110 = arith.constant 80 : index
      %swap3A_111 = tpu.vector_load %arg7[%swap3A_109, %swap3A_110] {strides = array<i32>} : memref<152x96xf32, #tpu.memory_space<vmem>>, vector<1x16xf32>,
      %swap3A_112 = vector.shape_cast %swap3A_111 : vector<1x16xf32> to vector<16xf32>
      %swap3A_113 = vector.shape_cast %mul3A_108 : vector<16xf32> to vector<1x16xf32>
      tpu.vector_store %arg7[%swap3A_109, %swap3A_110], %swap3A_113 {strides = array<i32>} : memref<152x96xf32, #tpu.memory_space<vmem>>, vector<1x16xf32>,
    }
    %scan3A_31 = arith.constant 150 : i32
    "tpu.region"() ({
      %run_scoped3A = tpu.sem_alloc : memref<!tpu.dma_semaphore, #tpu.memory_space<semaphore_mem>>
      %dma_start3A = arith.constant 512 : i32
      %dma_start3A_38 = arith.constant 0 : i32
      %dma_start3A_39 = tpu.memref_slice %arg2[%add3A_6, %dma_start3A, %dma_start3A_38] : memref<64x1024x96xf32, #tpu.memory_space<hbm>> -> memref<1x512x96xf32, #tpu.memory_space<hbm>>
      %dma_start3A_40 = tpu.memref_squeeze %dma_start3A_39 : memref<1x512x96xf32, #tpu.memory_space<hbm>> -> memref<512x96xf32, #tpu.memory_space<hbm>>
      %dma_start3A_41 = arith.constant 512 : i32
      %dma_start3A_42 = arith.constant 0 : i32
      %dma_start3A_43 = tpu.memref_slice %arg2[%add3A_6, %dma_start3A_41, %dma_start3A_42] : memref<64x1024x96xf32, #tpu.memory_space<hbm>> -> memref<1x512x96xf32, #tpu.memory_space<hbm>>
      %dma_start3A_44 = tpu.memref_squeeze %dma_start3A_43 : memref<1x512x96xf32, #tpu.memory_space<hbm>> -> memref<512x96xf32, #tpu.memory_space<hbm>>
      tpu.enqueue_dma source(%dma_start3A_44 : memref<512x96xf32, #tpu.memory_space<hbm>>) target(%arg6 : memref<512x96xf32, #tpu.memory_space<vmem>>) target_semaphore(%run_scoped3A : memref<!tpu.dma_semaphore, #tpu.memory_space<semaphore_mem>>)
      %dma_wait3A = arith.constant 512 : i32
      %dma_wait3A_45 = arith.constant 0 : i32
      %dma_wait3A_46 = tpu.memref_slice %arg2[%add3A_6, %dma_wait3A, %dma_wait3A_45] : memref<64x1024x96xf32, #tpu.memory_space<hbm>> -> memref<1x512x96xf32, #tpu.memory_space<hbm>>
      %dma_wait3A_47 = tpu.memref_squeeze %dma_wait3A_46 : memref<1x512x96xf32, #tpu.memory_space<hbm>> -> memref<512x96xf32, #tpu.memory_space<hbm>>
      %dma_wait3A_48 = arith.constant 512 : i32
      %dma_wait3A_49 = arith.constant 0 : i32
      %dma_wait3A_50 = tpu.memref_slice %arg2[%add3A_6, %dma_wait3A_48, %dma_wait3A_49] : memref<64x1024x96xf32, #tpu.memory_space<hbm>> -> memref<1x512x96xf32, #tpu.memory_space<hbm>>
      %dma_wait3A_51 = tpu.memref_squeeze %dma_wait3A_50 : memref<1x512x96xf32, #tpu.memory_space<hbm>> -> memref<512x96xf32, #tpu.memory_space<hbm>>
      tpu.wait_dma2 semaphore(%run_scoped3A : memref<!tpu.dma_semaphore, #tpu.memory_space<semaphore_mem>>) src(%dma_wait3A_51 : memref<512x96xf32, #tpu.memory_space<hbm>>) dst(%arg6 : memref<512x96xf32, #tpu.memory_space<vmem>>)
      tpu.yield
    }) : () -> ()
    %scan3A_32 = arith.constant 0 : i32
    %scan3A_33 = arith.constant 0 : i32
    %scan3A_34 = arith.constant 150 : i32
    %scan3A_35 = arith.addi %scan3A_33, %scan3A_34 : i32
    %scan3A_36 = arith.constant 1 : i32
    scf.for %scan3A_38 = %scan3A_33 to %scan3A_35 step %scan3A_36  : i32 {
      %get3A = arith.index_cast %scan3A_38 : i32 to index
      %get3A_39 = tpu.vector_load %arg8[%get3A] {strides = array<i32>} : memref<176xi32, #tpu.memory_space<vmem>>, vector<16xi32>,
      %get3A_40 = vector.shape_cast %get3A_39 : vector<16xi32> to vector<16xi32>
      %slice3A = vector.extract_strided_slice %get3A_40 {offsets = [0], sizes = [1], strides = [1]} : vector<16xi32> to vector<1xi32>
      %squeeze3A = vector.extract %slice3A[0] : i32 from vector<1xi32>
      %get3A_41 = arith.index_cast %scan3A_38 : i32 to index
      %get3A_42 = tpu.vector_load %arg9[%get3A_41] {strides = array<i32>} : memref<176xf32, #tpu.memory_space<vmem>>, vector<16xf32>,
      %get3A_43 = vector.shape_cast %get3A_42 : vector<16xf32> to vector<16xf32>
      %slice3A_44 = vector.extract_strided_slice %get3A_43 {offsets = [0], sizes = [1], strides = [1]} : vector<16xf32> to vector<1xf32>
      %squeeze3A_45 = vector.extract %slice3A_44[0] : f32 from vector<1xf32>
      %sub3A = arith.constant 512 : i32
      %sub3A_46 = arith.subi %squeeze3A, %sub3A : i32
      %jit3A = arith.constant 0 : i32
      %jit3A_47 = arith.constant 511 : i32
      %max3A = arith.maxsi %jit3A, %sub3A_46 : i32
      %min3A = arith.minsi %jit3A_47, %max3A : i32
      %ge3A = arith.constant 512 : i32
      %ge3A_48 = arith.cmpi sge, %squeeze3A, %ge3A : i32
      %get3A_49 = arith.index_cast %min3A : i32 to index
      %get3A_50 = arith.constant 0 : index
      %get3A_51 = tpu.vector_load %arg6[%get3A_49, %get3A_50] {strides = array<i32>} : memref<512x96xf32, #tpu.memory_space<vmem>>, vector<1x16xf32>,
      %get3A_52 = vector.shape_cast %get3A_51 : vector<1x16xf32> to vector<16xf32>
      %mul3A_53 = vector.broadcast %squeeze3A_45 : f32 to vector<16xf32>
      %mul3A_54 = arith.mulf %get3A_52, %mul3A_53 : vector<16xf32>
      %get3A_55 = arith.index_cast %scan3A_38 : i32 to index
      %get3A_56 = arith.constant 0 : index
      %get3A_57 = tpu.vector_load %arg7[%get3A_55, %get3A_56] {strides = array<i32>} : memref<152x96xf32, #tpu.memory_space<vmem>>, vector<1x16xf32>,
      %get3A_58 = vector.shape_cast %get3A_57 : vector<1x16xf32> to vector<16xf32>
      %select_n3A = arith.select %ge3A_48, %mul3A_54, %get3A_58 : vector<16xf32>
      %swap3A = arith.index_cast %scan3A_38 : i32 to index
      %swap3A_59 = arith.constant 0 : index
      %swap3A_60 = tpu.vector_load %arg7[%swap3A, %swap3A_59] {strides = array<i32>} : memref<152x96xf32, #tpu.memory_space<vmem>>, vector<1x16xf32>,
      %swap3A_61 = vector.shape_cast %swap3A_60 : vector<1x16xf32> to vector<16xf32>
      %swap3A_62 = vector.shape_cast %select_n3A : vector<16xf32> to vector<1x16xf32>
      tpu.vector_store %arg7[%swap3A, %swap3A_59], %swap3A_62 {strides = array<i32>} : memref<152x96xf32, #tpu.memory_space<vmem>>, vector<1x16xf32>,
      %get3A_63 = arith.index_cast %min3A : i32 to index
      %get3A_64 = arith.constant 16 : index
      %get3A_65 = tpu.vector_load %arg6[%get3A_63, %get3A_64] {strides = array<i32>} : memref<512x96xf32, #tpu.memory_space<vmem>>, vector<1x16xf32>,
      %get3A_66 = vector.shape_cast %get3A_65 : vector<1x16xf32> to vector<16xf32>
      %mul3A_67 = vector.broadcast %squeeze3A_45 : f32 to vector<16xf32>
      %mul3A_68 = arith.mulf %get3A_66, %mul3A_67 : vector<16xf32>
      %get3A_69 = arith.index_cast %scan3A_38 : i32 to index
      %get3A_70 = arith.constant 16 : index
      %get3A_71 = tpu.vector_load %arg7[%get3A_69, %get3A_70] {strides = array<i32>} : memref<152x96xf32, #tpu.memory_space<vmem>>, vector<1x16xf32>,
      %get3A_72 = vector.shape_cast %get3A_71 : vector<1x16xf32> to vector<16xf32>
      %select_n3A_73 = arith.select %ge3A_48, %mul3A_68, %get3A_72 : vector<16xf32>
      %swap3A_74 = arith.index_cast %scan3A_38 : i32 to index
      %swap3A_75 = arith.constant 16 : index
      %swap3A_76 = tpu.vector_load %arg7[%swap3A_74, %swap3A_75] {strides = array<i32>} : memref<152x96xf32, #tpu.memory_space<vmem>>, vector<1x16xf32>,
      %swap3A_77 = vector.shape_cast %swap3A_76 : vector<1x16xf32> to vector<16xf32>
      %swap3A_78 = vector.shape_cast %select_n3A_73 : vector<16xf32> to vector<1x16xf32>
      tpu.vector_store %arg7[%swap3A_74, %swap3A_75], %swap3A_78 {strides = array<i32>} : memref<152x96xf32, #tpu.memory_space<vmem>>, vector<1x16xf32>,
      %get3A_79 = arith.index_cast %min3A : i32 to index
      %get3A_80 = arith.constant 32 : index
      %get3A_81 = tpu.vector_load %arg6[%get3A_79, %get3A_80] {strides = array<i32>} : memref<512x96xf32, #tpu.memory_space<vmem>>, vector<1x16xf32>,
      %get3A_82 = vector.shape_cast %get3A_81 : vector<1x16xf32> to vector<16xf32>
      %mul3A_83 = vector.broadcast %squeeze3A_45 : f32 to vector<16xf32>
      %mul3A_84 = arith.mulf %get3A_82, %mul3A_83 : vector<16xf32>
      %get3A_85 = arith.index_cast %scan3A_38 : i32 to index
      %get3A_86 = arith.constant 32 : index
      %get3A_87 = tpu.vector_load %arg7[%get3A_85, %get3A_86] {strides = array<i32>} : memref<152x96xf32, #tpu.memory_space<vmem>>, vector<1x16xf32>,
      %get3A_88 = vector.shape_cast %get3A_87 : vector<1x16xf32> to vector<16xf32>
      %select_n3A_89 = arith.select %ge3A_48, %mul3A_84, %get3A_88 : vector<16xf32>
      %swap3A_90 = arith.index_cast %scan3A_38 : i32 to index
      %swap3A_91 = arith.constant 32 : index
      %swap3A_92 = tpu.vector_load %arg7[%swap3A_90, %swap3A_91] {strides = array<i32>} : memref<152x96xf32, #tpu.memory_space<vmem>>, vector<1x16xf32>,
      %swap3A_93 = vector.shape_cast %swap3A_92 : vector<1x16xf32> to vector<16xf32>
      %swap3A_94 = vector.shape_cast %select_n3A_89 : vector<16xf32> to vector<1x16xf32>
      tpu.vector_store %arg7[%swap3A_90, %swap3A_91], %swap3A_94 {strides = array<i32>} : memref<152x96xf32, #tpu.memory_space<vmem>>, vector<1x16xf32>,
      %get3A_95 = arith.index_cast %min3A : i32 to index
      %get3A_96 = arith.constant 48 : index
      %get3A_97 = tpu.vector_load %arg6[%get3A_95, %get3A_96] {strides = array<i32>} : memref<512x96xf32, #tpu.memory_space<vmem>>, vector<1x16xf32>,
      %get3A_98 = vector.shape_cast %get3A_97 : vector<1x16xf32> to vector<16xf32>
      %mul3A_99 = vector.broadcast %squeeze3A_45 : f32 to vector<16xf32>
      %mul3A_100 = arith.mulf %get3A_98, %mul3A_99 : vector<16xf32>
      %get3A_101 = arith.index_cast %scan3A_38 : i32 to index
      %get3A_102 = arith.constant 48 : index
      %get3A_103 = tpu.vector_load %arg7[%get3A_101, %get3A_102] {strides = array<i32>} : memref<152x96xf32, #tpu.memory_space<vmem>>, vector<1x16xf32>,
      %get3A_104 = vector.shape_cast %get3A_103 : vector<1x16xf32> to vector<16xf32>
      %select_n3A_105 = arith.select %ge3A_48, %mul3A_100, %get3A_104 : vector<16xf32>
      %swap3A_106 = arith.index_cast %scan3A_38 : i32 to index
      %swap3A_107 = arith.constant 48 : index
      %swap3A_108 = tpu.vector_load %arg7[%swap3A_106, %swap3A_107] {strides = array<i32>} : memref<152x96xf32, #tpu.memory_space<vmem>>, vector<1x16xf32>,
      %swap3A_109 = vector.shape_cast %swap3A_108 : vector<1x16xf32> to vector<16xf32>
      %swap3A_110 = vector.shape_cast %select_n3A_105 : vector<16xf32> to vector<1x16xf32>
      tpu.vector_store %arg7[%swap3A_106, %swap3A_107], %swap3A_110 {strides = array<i32>} : memref<152x96xf32, #tpu.memory_space<vmem>>, vector<1x16xf32>,
      %get3A_111 = arith.index_cast %min3A : i32 to index
      %get3A_112 = arith.constant 64 : index
      %get3A_113 = tpu.vector_load %arg6[%get3A_111, %get3A_112] {strides = array<i32>} : memref<512x96xf32, #tpu.memory_space<vmem>>, vector<1x16xf32>,
      %get3A_114 = vector.shape_cast %get3A_113 : vector<1x16xf32> to vector<16xf32>
      %mul3A_115 = vector.broadcast %squeeze3A_45 : f32 to vector<16xf32>
      %mul3A_116 = arith.mulf %get3A_114, %mul3A_115 : vector<16xf32>
      %get3A_117 = arith.index_cast %scan3A_38 : i32 to index
      %get3A_118 = arith.constant 64 : index
      %get3A_119 = tpu.vector_load %arg7[%get3A_117, %get3A_118] {strides = array<i32>} : memref<152x96xf32, #tpu.memory_space<vmem>>, vector<1x16xf32>,
      %get3A_120 = vector.shape_cast %get3A_119 : vector<1x16xf32> to vector<16xf32>
      %select_n3A_121 = arith.select %ge3A_48, %mul3A_116, %get3A_120 : vector<16xf32>
      %swap3A_122 = arith.index_cast %scan3A_38 : i32 to index
      %swap3A_123 = arith.constant 64 : index
      %swap3A_124 = tpu.vector_load %arg7[%swap3A_122, %swap3A_123] {strides = array<i32>} : memref<152x96xf32, #tpu.memory_space<vmem>>, vector<1x16xf32>,
      %swap3A_125 = vector.shape_cast %swap3A_124 : vector<1x16xf32> to vector<16xf32>
      %swap3A_126 = vector.shape_cast %select_n3A_121 : vector<16xf32> to vector<1x16xf32>
      tpu.vector_store %arg7[%swap3A_122, %swap3A_123], %swap3A_126 {strides = array<i32>} : memref<152x96xf32, #tpu.memory_space<vmem>>, vector<1x16xf32>,
      %get3A_127 = arith.index_cast %min3A : i32 to index
      %get3A_128 = arith.constant 80 : index
      %get3A_129 = tpu.vector_load %arg6[%get3A_127, %get3A_128] {strides = array<i32>} : memref<512x96xf32, #tpu.memory_space<vmem>>, vector<1x16xf32>,
      %get3A_130 = vector.shape_cast %get3A_129 : vector<1x16xf32> to vector<16xf32>
      %mul3A_131 = vector.broadcast %squeeze3A_45 : f32 to vector<16xf32>
      %mul3A_132 = arith.mulf %get3A_130, %mul3A_131 : vector<16xf32>
      %get3A_133 = arith.index_cast %scan3A_38 : i32 to index
      %get3A_134 = arith.constant 80 : index
      %get3A_135 = tpu.vector_load %arg7[%get3A_133, %get3A_134] {strides = array<i32>} : memref<152x96xf32, #tpu.memory_space<vmem>>, vector<1x16xf32>,
      %get3A_136 = vector.shape_cast %get3A_135 : vector<1x16xf32> to vector<16xf32>
      %select_n3A_137 = arith.select %ge3A_48, %mul3A_132, %get3A_136 : vector<16xf32>
      %swap3A_138 = arith.index_cast %scan3A_38 : i32 to index
      %swap3A_139 = arith.constant 80 : index
      %swap3A_140 = tpu.vector_load %arg7[%swap3A_138, %swap3A_139] {strides = array<i32>} : memref<152x96xf32, #tpu.memory_space<vmem>>, vector<1x16xf32>,
      %swap3A_141 = vector.shape_cast %swap3A_140 : vector<1x16xf32> to vector<16xf32>
      %swap3A_142 = vector.shape_cast %select_n3A_137 : vector<16xf32> to vector<1x16xf32>
      tpu.vector_store %arg7[%swap3A_138, %swap3A_139], %swap3A_142 {strides = array<i32>} : memref<152x96xf32, #tpu.memory_space<vmem>>, vector<1x16xf32>,
    }
    %scan3A_37 = arith.constant 150 : i32
    "tpu.region"() ({
      %run_scoped3A = tpu.sem_alloc : memref<!tpu.dma_semaphore, #tpu.memory_space<semaphore_mem>>
      %dma_start3A = arith.constant 0 : i32
      %dma_start3A_38 = arith.constant 0 : i32
      %dma_start3A_39 = tpu.memref_slice %arg7[%dma_start3A, %dma_start3A_38] : memref<152x96xf32, #tpu.memory_space<vmem>> -> memref<150x96xf32, #tpu.memory_space<vmem>>
      %dma_start3A_40 = arith.constant 0 : i32
      %dma_start3A_41 = arith.constant 0 : i32
      %dma_start3A_42 = tpu.memref_slice %arg5[%add3A_6, %dma_start3A_40, %dma_start3A_41] : memref<64x150x96xf32, #tpu.memory_space<hbm>> -> memref<1x150x96xf32, #tpu.memory_space<hbm>>
      %dma_start3A_43 = tpu.memref_squeeze %dma_start3A_42 : memref<1x150x96xf32, #tpu.memory_space<hbm>> -> memref<150x96xf32, #tpu.memory_space<hbm>>
      %dma_start3A_44 = arith.constant 0 : i32
      %dma_start3A_45 = arith.constant 0 : i32
      %dma_start3A_46 = tpu.memref_slice %arg5[%add3A_6, %dma_start3A_44, %dma_start3A_45] : memref<64x150x96xf32, #tpu.memory_space<hbm>> -> memref<1x150x96xf32, #tpu.memory_space<hbm>>
      %dma_start3A_47 = tpu.memref_squeeze %dma_start3A_46 : memref<1x150x96xf32, #tpu.memory_space<hbm>> -> memref<150x96xf32, #tpu.memory_space<hbm>>
      %dma_start3A_48 = arith.constant 0 : i32
      %dma_start3A_49 = arith.constant 0 : i32
      %dma_start3A_50 = tpu.memref_slice %arg7[%dma_start3A_48, %dma_start3A_49] : memref<152x96xf32, #tpu.memory_space<vmem>> -> memref<150x96xf32, #tpu.memory_space<vmem>>
      tpu.enqueue_dma source(%dma_start3A_50 : memref<150x96xf32, #tpu.memory_space<vmem>>) target(%dma_start3A_47 : memref<150x96xf32, #tpu.memory_space<hbm>>) target_semaphore(%run_scoped3A : memref<!tpu.dma_semaphore, #tpu.memory_space<semaphore_mem>>)
      %dma_wait3A = arith.constant 0 : i32
      %dma_wait3A_51 = arith.constant 0 : i32
      %dma_wait3A_52 = tpu.memref_slice %arg7[%dma_wait3A, %dma_wait3A_51] : memref<152x96xf32, #tpu.memory_space<vmem>> -> memref<150x96xf32, #tpu.memory_space<vmem>>
      %dma_wait3A_53 = arith.constant 0 : i32
      %dma_wait3A_54 = arith.constant 0 : i32
      %dma_wait3A_55 = tpu.memref_slice %arg5[%add3A_6, %dma_wait3A_53, %dma_wait3A_54] : memref<64x150x96xf32, #tpu.memory_space<hbm>> -> memref<1x150x96xf32, #tpu.memory_space<hbm>>
      %dma_wait3A_56 = tpu.memref_squeeze %dma_wait3A_55 : memref<1x150x96xf32, #tpu.memory_space<hbm>> -> memref<150x96xf32, #tpu.memory_space<hbm>>
      %dma_wait3A_57 = arith.constant 0 : i32
      %dma_wait3A_58 = arith.constant 0 : i32
      %dma_wait3A_59 = tpu.memref_slice %arg5[%add3A_6, %dma_wait3A_57, %dma_wait3A_58] : memref<64x150x96xf32, #tpu.memory_space<hbm>> -> memref<1x150x96xf32, #tpu.memory_space<hbm>>
      %dma_wait3A_60 = tpu.memref_squeeze %dma_wait3A_59 : memref<1x150x96xf32, #tpu.memory_space<hbm>> -> memref<150x96xf32, #tpu.memory_space<hbm>>
      %dma_wait3A_61 = arith.constant 0 : i32
      %dma_wait3A_62 = arith.constant 0 : i32
      %dma_wait3A_63 = tpu.memref_slice %arg7[%dma_wait3A_61, %dma_wait3A_62] : memref<152x96xf32, #tpu.memory_space<vmem>> -> memref<150x96xf32, #tpu.memory_space<vmem>>
      tpu.wait_dma2 semaphore(%run_scoped3A : memref<!tpu.dma_semaphore, #tpu.memory_space<semaphore_mem>>) src(%dma_wait3A_63 : memref<150x96xf32, #tpu.memory_space<vmem>>) dst(%dma_wait3A_60 : memref<150x96xf32, #tpu.memory_space<hbm>>)
      tpu.yield
    }) : () -> ()
    return
  }
}

module attributes {stable_mosaic.version = 14 : i64} {
  func.func @_scan_body(%arg0: i32, %arg1: memref<8x1024x150xf32, #tpu.memory_space<vmem>>, %arg2: memref<8x1x152xi32, #tpu.memory_space<vmem>>, %arg3: memref<8x1x152xf32, #tpu.memory_space<vmem>>) attributes {dimension_semantics = [#tpu.dimension_semantics<arbitrary>], iteration_bounds = array<i64: 8>, scalar_prefetch = 0 : i64, scratch_operands = 0 : i64, tpu.core_type = #tpu.core_type<tc>, window_params = [{transform_indices = @transform_0, window_bounds = array<i64: 8, 1024, 150>}, {transform_indices = @transform_1, window_bounds = array<i64: 8, 1, 152>}, {transform_indices = @transform_2, window_bounds = array<i64: 8, 1, 152>}]} {
    %get3A = arith.constant 0 : index
    %get3A_0 = arith.constant 0 : index
    %get3A_1 = arith.constant 0 : index
    %get3A_2 = vector.load %arg1[%get3A, %get3A_0, %get3A_1] : memref<8x1024x150xf32, #tpu.memory_space<vmem>>, vector<1x1024x150xf32>
    %get3A_3 = vector.shape_cast %get3A_2 : vector<1x1024x150xf32> to vector<1024x150xf32>
    %reduce_max3A = arith.constant dense<0xFF800000> : vector<150xf32>
    %reduce_max3A_4 = vector.multi_reduction <maximumf>, %get3A_3, %reduce_max3A [0] : vector<1024x150xf32> to vector<150xf32>
    %broadcast_in_dim3A = vector.shape_cast %reduce_max3A_4 : vector<150xf32> to vector<1x150xf32>
    %broadcast_in_dim3A_5 = arith.constant 1.000000e+00 : f32
    %broadcast_in_dim3A_6 = vector.broadcast %broadcast_in_dim3A_5 : f32 to vector<1x1024xf32>
    %dot_general3A = arith.constant dense<0.000000e+00> : vector<1x150xf32>
    %dot_general3A_7 = tpu.matmul %broadcast_in_dim3A_6, %get3A_3, %dot_general3A {dimension_numbers = #tpu.dot_dimension_numbers<[1], [0], [0], [1], [0, 0, 1, 1], [], []>, transpose_lhs_hint = false} : vector<1x1024xf32>, vector<1024x150xf32>, vector<1x150xf32> -> vector<1x150xf32>
    %iota3A = tpu.iota {dimensions = array<i32: 0>} : vector<1024x150xi32>
    %eq3A = vector.broadcast %broadcast_in_dim3A : vector<1x150xf32> to vector<1024x150xf32>
    %eq3A_8 = arith.cmpf oeq, %get3A_3, %eq3A : vector<1024x150xf32>
    %jit3A = arith.constant 1024 : i32
    %broadcast_in_dim3A_9 = vector.broadcast %jit3A : i32 to vector<1024x150xi32>
    %select_n3A = arith.select %eq3A_8, %iota3A, %broadcast_in_dim3A_9 : vector<1024x150xi1>, vector<1024x150xi32>
    %reduce_min3A = arith.constant dense<2147483647> : vector<150xi32>
    %reduce_min3A_10 = vector.multi_reduction <minsi>, %select_n3A, %reduce_min3A [0] : vector<1024x150xi32> to vector<150xi32>
    %broadcast_in_dim3A_11 = vector.shape_cast %reduce_min3A_10 : vector<150xi32> to vector<1x150xi32>
    %mul3A = arith.constant 9.765625E-4 : f32
    %mul3A_12 = vector.broadcast %mul3A : f32 to vector<1x150xf32>
    %mul3A_13 = arith.mulf %dot_general3A_7, %mul3A_12 : vector<1x150xf32>
    %gt3A = arith.constant 3.000000e-01 : f32
    %gt3A_14 = vector.broadcast %gt3A : f32 to vector<1x150xf32>
    %gt3A_15 = arith.cmpf ogt, %mul3A_13, %gt3A_14 : vector<1x150xf32>
    %broadcast_in_dim3A_16 = arith.constant 0 : i32
    %broadcast_in_dim3A_17 = vector.broadcast %broadcast_in_dim3A_16 : i32 to vector<1x2xi32>
    %broadcast_in_dim3A_18 = arith.constant 0.000000e+00 : f32
    %broadcast_in_dim3A_19 = vector.broadcast %broadcast_in_dim3A_18 : f32 to vector<1x2xf32>
    %concatenate3A = tpu.concatenate %broadcast_in_dim3A_11, %broadcast_in_dim3A_17 in 1 : vector<1x150xi32>, vector<1x2xi32> -> vector<1x152xi32>
    %swap3A = arith.constant 0 : index
    %swap3A_20 = arith.constant 0 : index
    %swap3A_21 = arith.constant 0 : index
    %swap3A_22 = vector.load %arg2[%swap3A, %swap3A_20, %swap3A_21] : memref<8x1x152xi32, #tpu.memory_space<vmem>>, vector<1x1x152xi32>
    %swap3A_23 = vector.shape_cast %swap3A_22 : vector<1x1x152xi32> to vector<1x152xi32>
    %swap3A_24 = vector.shape_cast %concatenate3A : vector<1x152xi32> to vector<1x1x152xi32>
    tpu.vector_store %arg2[%swap3A, %swap3A_20, %swap3A_21], %swap3A_24 {strides = array<i32>} : memref<8x1x152xi32, #tpu.memory_space<vmem>>, vector<1x1x152xi32>,
    %convert_element_type3A = arith.extui %gt3A_15 : vector<1x150xi1> to vector<1x150xi32>
    %convert_element_type3A_25 = arith.sitofp %convert_element_type3A : vector<1x150xi32> to vector<1x150xf32>
    %concatenate3A_26 = tpu.concatenate %convert_element_type3A_25, %broadcast_in_dim3A_19 in 1 : vector<1x150xf32>, vector<1x2xf32> -> vector<1x152xf32>
    %swap3A_27 = arith.constant 0 : index
    %swap3A_28 = arith.constant 0 : index
    %swap3A_29 = arith.constant 0 : index
    %swap3A_30 = vector.load %arg3[%swap3A_27, %swap3A_28, %swap3A_29] : memref<8x1x152xf32, #tpu.memory_space<vmem>>, vector<1x1x152xf32>
    %swap3A_31 = vector.shape_cast %swap3A_30 : vector<1x1x152xf32> to vector<1x152xf32>
    %swap3A_32 = vector.shape_cast %concatenate3A_26 : vector<1x152xf32> to vector<1x1x152xf32>
    tpu.vector_store %arg3[%swap3A_27, %swap3A_28, %swap3A_29], %swap3A_32 {strides = array<i32>} : memref<8x1x152xf32, #tpu.memory_space<vmem>>, vector<1x1x152xf32>,
    %get3A_33 = arith.constant 1 : index
    %get3A_34 = arith.constant 0 : index
    %get3A_35 = arith.constant 0 : index
    %get3A_36 = vector.load %arg1[%get3A_33, %get3A_34, %get3A_35] : memref<8x1024x150xf32, #tpu.memory_space<vmem>>, vector<1x1024x150xf32>
    %get3A_37 = vector.shape_cast %get3A_36 : vector<1x1024x150xf32> to vector<1024x150xf32>
    %reduce_max3A_38 = arith.constant dense<0xFF800000> : vector<150xf32>
    %reduce_max3A_39 = vector.multi_reduction <maximumf>, %get3A_37, %reduce_max3A_38 [0] : vector<1024x150xf32> to vector<150xf32>
    %broadcast_in_dim3A_40 = vector.shape_cast %reduce_max3A_39 : vector<150xf32> to vector<1x150xf32>
    %broadcast_in_dim3A_41 = arith.constant 1.000000e+00 : f32
    %broadcast_in_dim3A_42 = vector.broadcast %broadcast_in_dim3A_41 : f32 to vector<1x1024xf32>
    %dot_general3A_43 = arith.constant dense<0.000000e+00> : vector<1x150xf32>
    %dot_general3A_44 = tpu.matmul %broadcast_in_dim3A_42, %get3A_37, %dot_general3A_43 {dimension_numbers = #tpu.dot_dimension_numbers<[1], [0], [0], [1], [0, 0, 1, 1], [], []>, transpose_lhs_hint = false} : vector<1x1024xf32>, vector<1024x150xf32>, vector<1x150xf32> -> vector<1x150xf32>
    %iota3A_45 = tpu.iota {dimensions = array<i32: 0>} : vector<1024x150xi32>
    %eq3A_46 = vector.broadcast %broadcast_in_dim3A_40 : vector<1x150xf32> to vector<1024x150xf32>
    %eq3A_47 = arith.cmpf oeq, %get3A_37, %eq3A_46 : vector<1024x150xf32>
    %jit3A_48 = arith.constant 1024 : i32
    %broadcast_in_dim3A_49 = vector.broadcast %jit3A_48 : i32 to vector<1024x150xi32>
    %select_n3A_50 = arith.select %eq3A_47, %iota3A_45, %broadcast_in_dim3A_49 : vector<1024x150xi1>, vector<1024x150xi32>
    %reduce_min3A_51 = arith.constant dense<2147483647> : vector<150xi32>
    %reduce_min3A_52 = vector.multi_reduction <minsi>, %select_n3A_50, %reduce_min3A_51 [0] : vector<1024x150xi32> to vector<150xi32>
    %broadcast_in_dim3A_53 = vector.shape_cast %reduce_min3A_52 : vector<150xi32> to vector<1x150xi32>
    %mul3A_54 = arith.constant 9.765625E-4 : f32
    %mul3A_55 = vector.broadcast %mul3A_54 : f32 to vector<1x150xf32>
    %mul3A_56 = arith.mulf %dot_general3A_44, %mul3A_55 : vector<1x150xf32>
    %gt3A_57 = arith.constant 3.000000e-01 : f32
    %gt3A_58 = vector.broadcast %gt3A_57 : f32 to vector<1x150xf32>
    %gt3A_59 = arith.cmpf ogt, %mul3A_56, %gt3A_58 : vector<1x150xf32>
    %broadcast_in_dim3A_60 = arith.constant 0 : i32
    %broadcast_in_dim3A_61 = vector.broadcast %broadcast_in_dim3A_60 : i32 to vector<1x2xi32>
    %broadcast_in_dim3A_62 = arith.constant 0.000000e+00 : f32
    %broadcast_in_dim3A_63 = vector.broadcast %broadcast_in_dim3A_62 : f32 to vector<1x2xf32>
    %concatenate3A_64 = tpu.concatenate %broadcast_in_dim3A_53, %broadcast_in_dim3A_61 in 1 : vector<1x150xi32>, vector<1x2xi32> -> vector<1x152xi32>
    %swap3A_65 = arith.constant 1 : index
    %swap3A_66 = arith.constant 0 : index
    %swap3A_67 = arith.constant 0 : index
    %swap3A_68 = vector.load %arg2[%swap3A_65, %swap3A_66, %swap3A_67] : memref<8x1x152xi32, #tpu.memory_space<vmem>>, vector<1x1x152xi32>
    %swap3A_69 = vector.shape_cast %swap3A_68 : vector<1x1x152xi32> to vector<1x152xi32>
    %swap3A_70 = vector.shape_cast %concatenate3A_64 : vector<1x152xi32> to vector<1x1x152xi32>
    tpu.vector_store %arg2[%swap3A_65, %swap3A_66, %swap3A_67], %swap3A_70 {strides = array<i32>} : memref<8x1x152xi32, #tpu.memory_space<vmem>>, vector<1x1x152xi32>,
    %convert_element_type3A_71 = arith.extui %gt3A_59 : vector<1x150xi1> to vector<1x150xi32>
    %convert_element_type3A_72 = arith.sitofp %convert_element_type3A_71 : vector<1x150xi32> to vector<1x150xf32>
    %concatenate3A_73 = tpu.concatenate %convert_element_type3A_72, %broadcast_in_dim3A_63 in 1 : vector<1x150xf32>, vector<1x2xf32> -> vector<1x152xf32>
    %swap3A_74 = arith.constant 1 : index
    %swap3A_75 = arith.constant 0 : index
    %swap3A_76 = arith.constant 0 : index
    %swap3A_77 = vector.load %arg3[%swap3A_74, %swap3A_75, %swap3A_76] : memref<8x1x152xf32, #tpu.memory_space<vmem>>, vector<1x1x152xf32>
    %swap3A_78 = vector.shape_cast %swap3A_77 : vector<1x1x152xf32> to vector<1x152xf32>
    %swap3A_79 = vector.shape_cast %concatenate3A_73 : vector<1x152xf32> to vector<1x1x152xf32>
    tpu.vector_store %arg3[%swap3A_74, %swap3A_75, %swap3A_76], %swap3A_79 {strides = array<i32>} : memref<8x1x152xf32, #tpu.memory_space<vmem>>, vector<1x1x152xf32>,
    %get3A_80 = arith.constant 2 : index
    %get3A_81 = arith.constant 0 : index
    %get3A_82 = arith.constant 0 : index
    %get3A_83 = vector.load %arg1[%get3A_80, %get3A_81, %get3A_82] : memref<8x1024x150xf32, #tpu.memory_space<vmem>>, vector<1x1024x150xf32>
    %get3A_84 = vector.shape_cast %get3A_83 : vector<1x1024x150xf32> to vector<1024x150xf32>
    %reduce_max3A_85 = arith.constant dense<0xFF800000> : vector<150xf32>
    %reduce_max3A_86 = vector.multi_reduction <maximumf>, %get3A_84, %reduce_max3A_85 [0] : vector<1024x150xf32> to vector<150xf32>
    %broadcast_in_dim3A_87 = vector.shape_cast %reduce_max3A_86 : vector<150xf32> to vector<1x150xf32>
    %broadcast_in_dim3A_88 = arith.constant 1.000000e+00 : f32
    %broadcast_in_dim3A_89 = vector.broadcast %broadcast_in_dim3A_88 : f32 to vector<1x1024xf32>
    %dot_general3A_90 = arith.constant dense<0.000000e+00> : vector<1x150xf32>
    %dot_general3A_91 = tpu.matmul %broadcast_in_dim3A_89, %get3A_84, %dot_general3A_90 {dimension_numbers = #tpu.dot_dimension_numbers<[1], [0], [0], [1], [0, 0, 1, 1], [], []>, transpose_lhs_hint = false} : vector<1x1024xf32>, vector<1024x150xf32>, vector<1x150xf32> -> vector<1x150xf32>
    %iota3A_92 = tpu.iota {dimensions = array<i32: 0>} : vector<1024x150xi32>
    %eq3A_93 = vector.broadcast %broadcast_in_dim3A_87 : vector<1x150xf32> to vector<1024x150xf32>
    %eq3A_94 = arith.cmpf oeq, %get3A_84, %eq3A_93 : vector<1024x150xf32>
    %jit3A_95 = arith.constant 1024 : i32
    %broadcast_in_dim3A_96 = vector.broadcast %jit3A_95 : i32 to vector<1024x150xi32>
    %select_n3A_97 = arith.select %eq3A_94, %iota3A_92, %broadcast_in_dim3A_96 : vector<1024x150xi1>, vector<1024x150xi32>
    %reduce_min3A_98 = arith.constant dense<2147483647> : vector<150xi32>
    %reduce_min3A_99 = vector.multi_reduction <minsi>, %select_n3A_97, %reduce_min3A_98 [0] : vector<1024x150xi32> to vector<150xi32>
    %broadcast_in_dim3A_100 = vector.shape_cast %reduce_min3A_99 : vector<150xi32> to vector<1x150xi32>
    %mul3A_101 = arith.constant 9.765625E-4 : f32
    %mul3A_102 = vector.broadcast %mul3A_101 : f32 to vector<1x150xf32>
    %mul3A_103 = arith.mulf %dot_general3A_91, %mul3A_102 : vector<1x150xf32>
    %gt3A_104 = arith.constant 3.000000e-01 : f32
    %gt3A_105 = vector.broadcast %gt3A_104 : f32 to vector<1x150xf32>
    %gt3A_106 = arith.cmpf ogt, %mul3A_103, %gt3A_105 : vector<1x150xf32>
    %broadcast_in_dim3A_107 = arith.constant 0 : i32
    %broadcast_in_dim3A_108 = vector.broadcast %broadcast_in_dim3A_107 : i32 to vector<1x2xi32>
    %broadcast_in_dim3A_109 = arith.constant 0.000000e+00 : f32
    %broadcast_in_dim3A_110 = vector.broadcast %broadcast_in_dim3A_109 : f32 to vector<1x2xf32>
    %concatenate3A_111 = tpu.concatenate %broadcast_in_dim3A_100, %broadcast_in_dim3A_108 in 1 : vector<1x150xi32>, vector<1x2xi32> -> vector<1x152xi32>
    %swap3A_112 = arith.constant 2 : index
    %swap3A_113 = arith.constant 0 : index
    %swap3A_114 = arith.constant 0 : index
    %swap3A_115 = vector.load %arg2[%swap3A_112, %swap3A_113, %swap3A_114] : memref<8x1x152xi32, #tpu.memory_space<vmem>>, vector<1x1x152xi32>
    %swap3A_116 = vector.shape_cast %swap3A_115 : vector<1x1x152xi32> to vector<1x152xi32>
    %swap3A_117 = vector.shape_cast %concatenate3A_111 : vector<1x152xi32> to vector<1x1x152xi32>
    tpu.vector_store %arg2[%swap3A_112, %swap3A_113, %swap3A_114], %swap3A_117 {strides = array<i32>} : memref<8x1x152xi32, #tpu.memory_space<vmem>>, vector<1x1x152xi32>,
    %convert_element_type3A_118 = arith.extui %gt3A_106 : vector<1x150xi1> to vector<1x150xi32>
    %convert_element_type3A_119 = arith.sitofp %convert_element_type3A_118 : vector<1x150xi32> to vector<1x150xf32>
    %concatenate3A_120 = tpu.concatenate %convert_element_type3A_119, %broadcast_in_dim3A_110 in 1 : vector<1x150xf32>, vector<1x2xf32> -> vector<1x152xf32>
    %swap3A_121 = arith.constant 2 : index
    %swap3A_122 = arith.constant 0 : index
    %swap3A_123 = arith.constant 0 : index
    %swap3A_124 = vector.load %arg3[%swap3A_121, %swap3A_122, %swap3A_123] : memref<8x1x152xf32, #tpu.memory_space<vmem>>, vector<1x1x152xf32>
    %swap3A_125 = vector.shape_cast %swap3A_124 : vector<1x1x152xf32> to vector<1x152xf32>
    %swap3A_126 = vector.shape_cast %concatenate3A_120 : vector<1x152xf32> to vector<1x1x152xf32>
    tpu.vector_store %arg3[%swap3A_121, %swap3A_122, %swap3A_123], %swap3A_126 {strides = array<i32>} : memref<8x1x152xf32, #tpu.memory_space<vmem>>, vector<1x1x152xf32>,
    %get3A_127 = arith.constant 3 : index
    %get3A_128 = arith.constant 0 : index
    %get3A_129 = arith.constant 0 : index
    %get3A_130 = vector.load %arg1[%get3A_127, %get3A_128, %get3A_129] : memref<8x1024x150xf32, #tpu.memory_space<vmem>>, vector<1x1024x150xf32>
    %get3A_131 = vector.shape_cast %get3A_130 : vector<1x1024x150xf32> to vector<1024x150xf32>
    %reduce_max3A_132 = arith.constant dense<0xFF800000> : vector<150xf32>
    %reduce_max3A_133 = vector.multi_reduction <maximumf>, %get3A_131, %reduce_max3A_132 [0] : vector<1024x150xf32> to vector<150xf32>
    %broadcast_in_dim3A_134 = vector.shape_cast %reduce_max3A_133 : vector<150xf32> to vector<1x150xf32>
    %broadcast_in_dim3A_135 = arith.constant 1.000000e+00 : f32
    %broadcast_in_dim3A_136 = vector.broadcast %broadcast_in_dim3A_135 : f32 to vector<1x1024xf32>
    %dot_general3A_137 = arith.constant dense<0.000000e+00> : vector<1x150xf32>
    %dot_general3A_138 = tpu.matmul %broadcast_in_dim3A_136, %get3A_131, %dot_general3A_137 {dimension_numbers = #tpu.dot_dimension_numbers<[1], [0], [0], [1], [0, 0, 1, 1], [], []>, transpose_lhs_hint = false} : vector<1x1024xf32>, vector<1024x150xf32>, vector<1x150xf32> -> vector<1x150xf32>
    %iota3A_139 = tpu.iota {dimensions = array<i32: 0>} : vector<1024x150xi32>
    %eq3A_140 = vector.broadcast %broadcast_in_dim3A_134 : vector<1x150xf32> to vector<1024x150xf32>
    %eq3A_141 = arith.cmpf oeq, %get3A_131, %eq3A_140 : vector<1024x150xf32>
    %jit3A_142 = arith.constant 1024 : i32
    %broadcast_in_dim3A_143 = vector.broadcast %jit3A_142 : i32 to vector<1024x150xi32>
    %select_n3A_144 = arith.select %eq3A_141, %iota3A_139, %broadcast_in_dim3A_143 : vector<1024x150xi1>, vector<1024x150xi32>
    %reduce_min3A_145 = arith.constant dense<2147483647> : vector<150xi32>
    %reduce_min3A_146 = vector.multi_reduction <minsi>, %select_n3A_144, %reduce_min3A_145 [0] : vector<1024x150xi32> to vector<150xi32>
    %broadcast_in_dim3A_147 = vector.shape_cast %reduce_min3A_146 : vector<150xi32> to vector<1x150xi32>
    %mul3A_148 = arith.constant 9.765625E-4 : f32
    %mul3A_149 = vector.broadcast %mul3A_148 : f32 to vector<1x150xf32>
    %mul3A_150 = arith.mulf %dot_general3A_138, %mul3A_149 : vector<1x150xf32>
    %gt3A_151 = arith.constant 3.000000e-01 : f32
    %gt3A_152 = vector.broadcast %gt3A_151 : f32 to vector<1x150xf32>
    %gt3A_153 = arith.cmpf ogt, %mul3A_150, %gt3A_152 : vector<1x150xf32>
    %broadcast_in_dim3A_154 = arith.constant 0 : i32
    %broadcast_in_dim3A_155 = vector.broadcast %broadcast_in_dim3A_154 : i32 to vector<1x2xi32>
    %broadcast_in_dim3A_156 = arith.constant 0.000000e+00 : f32
    %broadcast_in_dim3A_157 = vector.broadcast %broadcast_in_dim3A_156 : f32 to vector<1x2xf32>
    %concatenate3A_158 = tpu.concatenate %broadcast_in_dim3A_147, %broadcast_in_dim3A_155 in 1 : vector<1x150xi32>, vector<1x2xi32> -> vector<1x152xi32>
    %swap3A_159 = arith.constant 3 : index
    %swap3A_160 = arith.constant 0 : index
    %swap3A_161 = arith.constant 0 : index
    %swap3A_162 = vector.load %arg2[%swap3A_159, %swap3A_160, %swap3A_161] : memref<8x1x152xi32, #tpu.memory_space<vmem>>, vector<1x1x152xi32>
    %swap3A_163 = vector.shape_cast %swap3A_162 : vector<1x1x152xi32> to vector<1x152xi32>
    %swap3A_164 = vector.shape_cast %concatenate3A_158 : vector<1x152xi32> to vector<1x1x152xi32>
    tpu.vector_store %arg2[%swap3A_159, %swap3A_160, %swap3A_161], %swap3A_164 {strides = array<i32>} : memref<8x1x152xi32, #tpu.memory_space<vmem>>, vector<1x1x152xi32>,
    %convert_element_type3A_165 = arith.extui %gt3A_153 : vector<1x150xi1> to vector<1x150xi32>
    %convert_element_type3A_166 = arith.sitofp %convert_element_type3A_165 : vector<1x150xi32> to vector<1x150xf32>
    %concatenate3A_167 = tpu.concatenate %convert_element_type3A_166, %broadcast_in_dim3A_157 in 1 : vector<1x150xf32>, vector<1x2xf32> -> vector<1x152xf32>
    %swap3A_168 = arith.constant 3 : index
    %swap3A_169 = arith.constant 0 : index
    %swap3A_170 = arith.constant 0 : index
    %swap3A_171 = vector.load %arg3[%swap3A_168, %swap3A_169, %swap3A_170] : memref<8x1x152xf32, #tpu.memory_space<vmem>>, vector<1x1x152xf32>
    %swap3A_172 = vector.shape_cast %swap3A_171 : vector<1x1x152xf32> to vector<1x152xf32>
    %swap3A_173 = vector.shape_cast %concatenate3A_167 : vector<1x152xf32> to vector<1x1x152xf32>
    tpu.vector_store %arg3[%swap3A_168, %swap3A_169, %swap3A_170], %swap3A_173 {strides = array<i32>} : memref<8x1x152xf32, #tpu.memory_space<vmem>>, vector<1x1x152xf32>,
    %get3A_174 = arith.constant 4 : index
    %get3A_175 = arith.constant 0 : index
    %get3A_176 = arith.constant 0 : index
    %get3A_177 = vector.load %arg1[%get3A_174, %get3A_175, %get3A_176] : memref<8x1024x150xf32, #tpu.memory_space<vmem>>, vector<1x1024x150xf32>
    %get3A_178 = vector.shape_cast %get3A_177 : vector<1x1024x150xf32> to vector<1024x150xf32>
    %reduce_max3A_179 = arith.constant dense<0xFF800000> : vector<150xf32>
    %reduce_max3A_180 = vector.multi_reduction <maximumf>, %get3A_178, %reduce_max3A_179 [0] : vector<1024x150xf32> to vector<150xf32>
    %broadcast_in_dim3A_181 = vector.shape_cast %reduce_max3A_180 : vector<150xf32> to vector<1x150xf32>
    %broadcast_in_dim3A_182 = arith.constant 1.000000e+00 : f32
    %broadcast_in_dim3A_183 = vector.broadcast %broadcast_in_dim3A_182 : f32 to vector<1x1024xf32>
    %dot_general3A_184 = arith.constant dense<0.000000e+00> : vector<1x150xf32>
    %dot_general3A_185 = tpu.matmul %broadcast_in_dim3A_183, %get3A_178, %dot_general3A_184 {dimension_numbers = #tpu.dot_dimension_numbers<[1], [0], [0], [1], [0, 0, 1, 1], [], []>, transpose_lhs_hint = false} : vector<1x1024xf32>, vector<1024x150xf32>, vector<1x150xf32> -> vector<1x150xf32>
    %iota3A_186 = tpu.iota {dimensions = array<i32: 0>} : vector<1024x150xi32>
    %eq3A_187 = vector.broadcast %broadcast_in_dim3A_181 : vector<1x150xf32> to vector<1024x150xf32>
    %eq3A_188 = arith.cmpf oeq, %get3A_178, %eq3A_187 : vector<1024x150xf32>
    %jit3A_189 = arith.constant 1024 : i32
    %broadcast_in_dim3A_190 = vector.broadcast %jit3A_189 : i32 to vector<1024x150xi32>
    %select_n3A_191 = arith.select %eq3A_188, %iota3A_186, %broadcast_in_dim3A_190 : vector<1024x150xi1>, vector<1024x150xi32>
    %reduce_min3A_192 = arith.constant dense<2147483647> : vector<150xi32>
    %reduce_min3A_193 = vector.multi_reduction <minsi>, %select_n3A_191, %reduce_min3A_192 [0] : vector<1024x150xi32> to vector<150xi32>
    %broadcast_in_dim3A_194 = vector.shape_cast %reduce_min3A_193 : vector<150xi32> to vector<1x150xi32>
    %mul3A_195 = arith.constant 9.765625E-4 : f32
    %mul3A_196 = vector.broadcast %mul3A_195 : f32 to vector<1x150xf32>
    %mul3A_197 = arith.mulf %dot_general3A_185, %mul3A_196 : vector<1x150xf32>
    %gt3A_198 = arith.constant 3.000000e-01 : f32
    %gt3A_199 = vector.broadcast %gt3A_198 : f32 to vector<1x150xf32>
    %gt3A_200 = arith.cmpf ogt, %mul3A_197, %gt3A_199 : vector<1x150xf32>
    %broadcast_in_dim3A_201 = arith.constant 0 : i32
    %broadcast_in_dim3A_202 = vector.broadcast %broadcast_in_dim3A_201 : i32 to vector<1x2xi32>
    %broadcast_in_dim3A_203 = arith.constant 0.000000e+00 : f32
    %broadcast_in_dim3A_204 = vector.broadcast %broadcast_in_dim3A_203 : f32 to vector<1x2xf32>
    %concatenate3A_205 = tpu.concatenate %broadcast_in_dim3A_194, %broadcast_in_dim3A_202 in 1 : vector<1x150xi32>, vector<1x2xi32> -> vector<1x152xi32>
    %swap3A_206 = arith.constant 4 : index
    %swap3A_207 = arith.constant 0 : index
    %swap3A_208 = arith.constant 0 : index
    %swap3A_209 = vector.load %arg2[%swap3A_206, %swap3A_207, %swap3A_208] : memref<8x1x152xi32, #tpu.memory_space<vmem>>, vector<1x1x152xi32>
    %swap3A_210 = vector.shape_cast %swap3A_209 : vector<1x1x152xi32> to vector<1x152xi32>
    %swap3A_211 = vector.shape_cast %concatenate3A_205 : vector<1x152xi32> to vector<1x1x152xi32>
    tpu.vector_store %arg2[%swap3A_206, %swap3A_207, %swap3A_208], %swap3A_211 {strides = array<i32>} : memref<8x1x152xi32, #tpu.memory_space<vmem>>, vector<1x1x152xi32>,
    %convert_element_type3A_212 = arith.extui %gt3A_200 : vector<1x150xi1> to vector<1x150xi32>
    %convert_element_type3A_213 = arith.sitofp %convert_element_type3A_212 : vector<1x150xi32> to vector<1x150xf32>
    %concatenate3A_214 = tpu.concatenate %convert_element_type3A_213, %broadcast_in_dim3A_204 in 1 : vector<1x150xf32>, vector<1x2xf32> -> vector<1x152xf32>
    %swap3A_215 = arith.constant 4 : index
    %swap3A_216 = arith.constant 0 : index
    %swap3A_217 = arith.constant 0 : index
    %swap3A_218 = vector.load %arg3[%swap3A_215, %swap3A_216, %swap3A_217] : memref<8x1x152xf32, #tpu.memory_space<vmem>>, vector<1x1x152xf32>
    %swap3A_219 = vector.shape_cast %swap3A_218 : vector<1x1x152xf32> to vector<1x152xf32>
    %swap3A_220 = vector.shape_cast %concatenate3A_214 : vector<1x152xf32> to vector<1x1x152xf32>
    tpu.vector_store %arg3[%swap3A_215, %swap3A_216, %swap3A_217], %swap3A_220 {strides = array<i32>} : memref<8x1x152xf32, #tpu.memory_space<vmem>>, vector<1x1x152xf32>,
    %get3A_221 = arith.constant 5 : index
    %get3A_222 = arith.constant 0 : index
    %get3A_223 = arith.constant 0 : index
    %get3A_224 = vector.load %arg1[%get3A_221, %get3A_222, %get3A_223] : memref<8x1024x150xf32, #tpu.memory_space<vmem>>, vector<1x1024x150xf32>
    %get3A_225 = vector.shape_cast %get3A_224 : vector<1x1024x150xf32> to vector<1024x150xf32>
    %reduce_max3A_226 = arith.constant dense<0xFF800000> : vector<150xf32>
    %reduce_max3A_227 = vector.multi_reduction <maximumf>, %get3A_225, %reduce_max3A_226 [0] : vector<1024x150xf32> to vector<150xf32>
    %broadcast_in_dim3A_228 = vector.shape_cast %reduce_max3A_227 : vector<150xf32> to vector<1x150xf32>
    %broadcast_in_dim3A_229 = arith.constant 1.000000e+00 : f32
    %broadcast_in_dim3A_230 = vector.broadcast %broadcast_in_dim3A_229 : f32 to vector<1x1024xf32>
    %dot_general3A_231 = arith.constant dense<0.000000e+00> : vector<1x150xf32>
    %dot_general3A_232 = tpu.matmul %broadcast_in_dim3A_230, %get3A_225, %dot_general3A_231 {dimension_numbers = #tpu.dot_dimension_numbers<[1], [0], [0], [1], [0, 0, 1, 1], [], []>, transpose_lhs_hint = false} : vector<1x1024xf32>, vector<1024x150xf32>, vector<1x150xf32> -> vector<1x150xf32>
    %iota3A_233 = tpu.iota {dimensions = array<i32: 0>} : vector<1024x150xi32>
    %eq3A_234 = vector.broadcast %broadcast_in_dim3A_228 : vector<1x150xf32> to vector<1024x150xf32>
    %eq3A_235 = arith.cmpf oeq, %get3A_225, %eq3A_234 : vector<1024x150xf32>
    %jit3A_236 = arith.constant 1024 : i32
    %broadcast_in_dim3A_237 = vector.broadcast %jit3A_236 : i32 to vector<1024x150xi32>
    %select_n3A_238 = arith.select %eq3A_235, %iota3A_233, %broadcast_in_dim3A_237 : vector<1024x150xi1>, vector<1024x150xi32>
    %reduce_min3A_239 = arith.constant dense<2147483647> : vector<150xi32>
    %reduce_min3A_240 = vector.multi_reduction <minsi>, %select_n3A_238, %reduce_min3A_239 [0] : vector<1024x150xi32> to vector<150xi32>
    %broadcast_in_dim3A_241 = vector.shape_cast %reduce_min3A_240 : vector<150xi32> to vector<1x150xi32>
    %mul3A_242 = arith.constant 9.765625E-4 : f32
    %mul3A_243 = vector.broadcast %mul3A_242 : f32 to vector<1x150xf32>
    %mul3A_244 = arith.mulf %dot_general3A_232, %mul3A_243 : vector<1x150xf32>
    %gt3A_245 = arith.constant 3.000000e-01 : f32
    %gt3A_246 = vector.broadcast %gt3A_245 : f32 to vector<1x150xf32>
    %gt3A_247 = arith.cmpf ogt, %mul3A_244, %gt3A_246 : vector<1x150xf32>
    %broadcast_in_dim3A_248 = arith.constant 0 : i32
    %broadcast_in_dim3A_249 = vector.broadcast %broadcast_in_dim3A_248 : i32 to vector<1x2xi32>
    %broadcast_in_dim3A_250 = arith.constant 0.000000e+00 : f32
    %broadcast_in_dim3A_251 = vector.broadcast %broadcast_in_dim3A_250 : f32 to vector<1x2xf32>
    %concatenate3A_252 = tpu.concatenate %broadcast_in_dim3A_241, %broadcast_in_dim3A_249 in 1 : vector<1x150xi32>, vector<1x2xi32> -> vector<1x152xi32>
    %swap3A_253 = arith.constant 5 : index
    %swap3A_254 = arith.constant 0 : index
    %swap3A_255 = arith.constant 0 : index
    %swap3A_256 = vector.load %arg2[%swap3A_253, %swap3A_254, %swap3A_255] : memref<8x1x152xi32, #tpu.memory_space<vmem>>, vector<1x1x152xi32>
    %swap3A_257 = vector.shape_cast %swap3A_256 : vector<1x1x152xi32> to vector<1x152xi32>
    %swap3A_258 = vector.shape_cast %concatenate3A_252 : vector<1x152xi32> to vector<1x1x152xi32>
    tpu.vector_store %arg2[%swap3A_253, %swap3A_254, %swap3A_255], %swap3A_258 {strides = array<i32>} : memref<8x1x152xi32, #tpu.memory_space<vmem>>, vector<1x1x152xi32>,
    %convert_element_type3A_259 = arith.extui %gt3A_247 : vector<1x150xi1> to vector<1x150xi32>
    %convert_element_type3A_260 = arith.sitofp %convert_element_type3A_259 : vector<1x150xi32> to vector<1x150xf32>
    %concatenate3A_261 = tpu.concatenate %convert_element_type3A_260, %broadcast_in_dim3A_251 in 1 : vector<1x150xf32>, vector<1x2xf32> -> vector<1x152xf32>
    %swap3A_262 = arith.constant 5 : index
    %swap3A_263 = arith.constant 0 : index
    %swap3A_264 = arith.constant 0 : index
    %swap3A_265 = vector.load %arg3[%swap3A_262, %swap3A_263, %swap3A_264] : memref<8x1x152xf32, #tpu.memory_space<vmem>>, vector<1x1x152xf32>
    %swap3A_266 = vector.shape_cast %swap3A_265 : vector<1x1x152xf32> to vector<1x152xf32>
    %swap3A_267 = vector.shape_cast %concatenate3A_261 : vector<1x152xf32> to vector<1x1x152xf32>
    tpu.vector_store %arg3[%swap3A_262, %swap3A_263, %swap3A_264], %swap3A_267 {strides = array<i32>} : memref<8x1x152xf32, #tpu.memory_space<vmem>>, vector<1x1x152xf32>,
    %get3A_268 = arith.constant 6 : index
    %get3A_269 = arith.constant 0 : index
    %get3A_270 = arith.constant 0 : index
    %get3A_271 = vector.load %arg1[%get3A_268, %get3A_269, %get3A_270] : memref<8x1024x150xf32, #tpu.memory_space<vmem>>, vector<1x1024x150xf32>
    %get3A_272 = vector.shape_cast %get3A_271 : vector<1x1024x150xf32> to vector<1024x150xf32>
    %reduce_max3A_273 = arith.constant dense<0xFF800000> : vector<150xf32>
    %reduce_max3A_274 = vector.multi_reduction <maximumf>, %get3A_272, %reduce_max3A_273 [0] : vector<1024x150xf32> to vector<150xf32>
    %broadcast_in_dim3A_275 = vector.shape_cast %reduce_max3A_274 : vector<150xf32> to vector<1x150xf32>
    %broadcast_in_dim3A_276 = arith.constant 1.000000e+00 : f32
    %broadcast_in_dim3A_277 = vector.broadcast %broadcast_in_dim3A_276 : f32 to vector<1x1024xf32>
    %dot_general3A_278 = arith.constant dense<0.000000e+00> : vector<1x150xf32>
    %dot_general3A_279 = tpu.matmul %broadcast_in_dim3A_277, %get3A_272, %dot_general3A_278 {dimension_numbers = #tpu.dot_dimension_numbers<[1], [0], [0], [1], [0, 0, 1, 1], [], []>, transpose_lhs_hint = false} : vector<1x1024xf32>, vector<1024x150xf32>, vector<1x150xf32> -> vector<1x150xf32>
    %iota3A_280 = tpu.iota {dimensions = array<i32: 0>} : vector<1024x150xi32>
    %eq3A_281 = vector.broadcast %broadcast_in_dim3A_275 : vector<1x150xf32> to vector<1024x150xf32>
    %eq3A_282 = arith.cmpf oeq, %get3A_272, %eq3A_281 : vector<1024x150xf32>
    %jit3A_283 = arith.constant 1024 : i32
    %broadcast_in_dim3A_284 = vector.broadcast %jit3A_283 : i32 to vector<1024x150xi32>
    %select_n3A_285 = arith.select %eq3A_282, %iota3A_280, %broadcast_in_dim3A_284 : vector<1024x150xi1>, vector<1024x150xi32>
    %reduce_min3A_286 = arith.constant dense<2147483647> : vector<150xi32>
    %reduce_min3A_287 = vector.multi_reduction <minsi>, %select_n3A_285, %reduce_min3A_286 [0] : vector<1024x150xi32> to vector<150xi32>
    %broadcast_in_dim3A_288 = vector.shape_cast %reduce_min3A_287 : vector<150xi32> to vector<1x150xi32>
    %mul3A_289 = arith.constant 9.765625E-4 : f32
    %mul3A_290 = vector.broadcast %mul3A_289 : f32 to vector<1x150xf32>
    %mul3A_291 = arith.mulf %dot_general3A_279, %mul3A_290 : vector<1x150xf32>
    %gt3A_292 = arith.constant 3.000000e-01 : f32
    %gt3A_293 = vector.broadcast %gt3A_292 : f32 to vector<1x150xf32>
    %gt3A_294 = arith.cmpf ogt, %mul3A_291, %gt3A_293 : vector<1x150xf32>
    %broadcast_in_dim3A_295 = arith.constant 0 : i32
    %broadcast_in_dim3A_296 = vector.broadcast %broadcast_in_dim3A_295 : i32 to vector<1x2xi32>
    %broadcast_in_dim3A_297 = arith.constant 0.000000e+00 : f32
    %broadcast_in_dim3A_298 = vector.broadcast %broadcast_in_dim3A_297 : f32 to vector<1x2xf32>
    %concatenate3A_299 = tpu.concatenate %broadcast_in_dim3A_288, %broadcast_in_dim3A_296 in 1 : vector<1x150xi32>, vector<1x2xi32> -> vector<1x152xi32>
    %swap3A_300 = arith.constant 6 : index
    %swap3A_301 = arith.constant 0 : index
    %swap3A_302 = arith.constant 0 : index
    %swap3A_303 = vector.load %arg2[%swap3A_300, %swap3A_301, %swap3A_302] : memref<8x1x152xi32, #tpu.memory_space<vmem>>, vector<1x1x152xi32>
    %swap3A_304 = vector.shape_cast %swap3A_303 : vector<1x1x152xi32> to vector<1x152xi32>
    %swap3A_305 = vector.shape_cast %concatenate3A_299 : vector<1x152xi32> to vector<1x1x152xi32>
    tpu.vector_store %arg2[%swap3A_300, %swap3A_301, %swap3A_302], %swap3A_305 {strides = array<i32>} : memref<8x1x152xi32, #tpu.memory_space<vmem>>, vector<1x1x152xi32>,
    %convert_element_type3A_306 = arith.extui %gt3A_294 : vector<1x150xi1> to vector<1x150xi32>
    %convert_element_type3A_307 = arith.sitofp %convert_element_type3A_306 : vector<1x150xi32> to vector<1x150xf32>
    %concatenate3A_308 = tpu.concatenate %convert_element_type3A_307, %broadcast_in_dim3A_298 in 1 : vector<1x150xf32>, vector<1x2xf32> -> vector<1x152xf32>
    %swap3A_309 = arith.constant 6 : index
    %swap3A_310 = arith.constant 0 : index
    %swap3A_311 = arith.constant 0 : index
    %swap3A_312 = vector.load %arg3[%swap3A_309, %swap3A_310, %swap3A_311] : memref<8x1x152xf32, #tpu.memory_space<vmem>>, vector<1x1x152xf32>
    %swap3A_313 = vector.shape_cast %swap3A_312 : vector<1x1x152xf32> to vector<1x152xf32>
    %swap3A_314 = vector.shape_cast %concatenate3A_308 : vector<1x152xf32> to vector<1x1x152xf32>
    tpu.vector_store %arg3[%swap3A_309, %swap3A_310, %swap3A_311], %swap3A_314 {strides = array<i32>} : memref<8x1x152xf32, #tpu.memory_space<vmem>>, vector<1x1x152xf32>,
    %get3A_315 = arith.constant 7 : index
    %get3A_316 = arith.constant 0 : index
    %get3A_317 = arith.constant 0 : index
    %get3A_318 = vector.load %arg1[%get3A_315, %get3A_316, %get3A_317] : memref<8x1024x150xf32, #tpu.memory_space<vmem>>, vector<1x1024x150xf32>
    %get3A_319 = vector.shape_cast %get3A_318 : vector<1x1024x150xf32> to vector<1024x150xf32>
    %reduce_max3A_320 = arith.constant dense<0xFF800000> : vector<150xf32>
    %reduce_max3A_321 = vector.multi_reduction <maximumf>, %get3A_319, %reduce_max3A_320 [0] : vector<1024x150xf32> to vector<150xf32>
    %broadcast_in_dim3A_322 = vector.shape_cast %reduce_max3A_321 : vector<150xf32> to vector<1x150xf32>
    %broadcast_in_dim3A_323 = arith.constant 1.000000e+00 : f32
    %broadcast_in_dim3A_324 = vector.broadcast %broadcast_in_dim3A_323 : f32 to vector<1x1024xf32>
    %dot_general3A_325 = arith.constant dense<0.000000e+00> : vector<1x150xf32>
    %dot_general3A_326 = tpu.matmul %broadcast_in_dim3A_324, %get3A_319, %dot_general3A_325 {dimension_numbers = #tpu.dot_dimension_numbers<[1], [0], [0], [1], [0, 0, 1, 1], [], []>, transpose_lhs_hint = false} : vector<1x1024xf32>, vector<1024x150xf32>, vector<1x150xf32> -> vector<1x150xf32>
    %iota3A_327 = tpu.iota {dimensions = array<i32: 0>} : vector<1024x150xi32>
    %eq3A_328 = vector.broadcast %broadcast_in_dim3A_322 : vector<1x150xf32> to vector<1024x150xf32>
    %eq3A_329 = arith.cmpf oeq, %get3A_319, %eq3A_328 : vector<1024x150xf32>
    %jit3A_330 = arith.constant 1024 : i32
    %broadcast_in_dim3A_331 = vector.broadcast %jit3A_330 : i32 to vector<1024x150xi32>
    %select_n3A_332 = arith.select %eq3A_329, %iota3A_327, %broadcast_in_dim3A_331 : vector<1024x150xi1>, vector<1024x150xi32>
    %reduce_min3A_333 = arith.constant dense<2147483647> : vector<150xi32>
    %reduce_min3A_334 = vector.multi_reduction <minsi>, %select_n3A_332, %reduce_min3A_333 [0] : vector<1024x150xi32> to vector<150xi32>
    %broadcast_in_dim3A_335 = vector.shape_cast %reduce_min3A_334 : vector<150xi32> to vector<1x150xi32>
    %mul3A_336 = arith.constant 9.765625E-4 : f32
    %mul3A_337 = vector.broadcast %mul3A_336 : f32 to vector<1x150xf32>
    %mul3A_338 = arith.mulf %dot_general3A_326, %mul3A_337 : vector<1x150xf32>
    %gt3A_339 = arith.constant 3.000000e-01 : f32
    %gt3A_340 = vector.broadcast %gt3A_339 : f32 to vector<1x150xf32>
    %gt3A_341 = arith.cmpf ogt, %mul3A_338, %gt3A_340 : vector<1x150xf32>
    %broadcast_in_dim3A_342 = arith.constant 0 : i32
    %broadcast_in_dim3A_343 = vector.broadcast %broadcast_in_dim3A_342 : i32 to vector<1x2xi32>
    %broadcast_in_dim3A_344 = arith.constant 0.000000e+00 : f32
    %broadcast_in_dim3A_345 = vector.broadcast %broadcast_in_dim3A_344 : f32 to vector<1x2xf32>
    %concatenate3A_346 = tpu.concatenate %broadcast_in_dim3A_335, %broadcast_in_dim3A_343 in 1 : vector<1x150xi32>, vector<1x2xi32> -> vector<1x152xi32>
    %swap3A_347 = arith.constant 7 : index
    %swap3A_348 = arith.constant 0 : index
    %swap3A_349 = arith.constant 0 : index
    %swap3A_350 = vector.load %arg2[%swap3A_347, %swap3A_348, %swap3A_349] : memref<8x1x152xi32, #tpu.memory_space<vmem>>, vector<1x1x152xi32>
    %swap3A_351 = vector.shape_cast %swap3A_350 : vector<1x1x152xi32> to vector<1x152xi32>
    %swap3A_352 = vector.shape_cast %concatenate3A_346 : vector<1x152xi32> to vector<1x1x152xi32>
    tpu.vector_store %arg2[%swap3A_347, %swap3A_348, %swap3A_349], %swap3A_352 {strides = array<i32>} : memref<8x1x152xi32, #tpu.memory_space<vmem>>, vector<1x1x152xi32>,
    %convert_element_type3A_353 = arith.extui %gt3A_341 : vector<1x150xi1> to vector<1x150xi32>
    %convert_element_type3A_354 = arith.sitofp %convert_element_type3A_353 : vector<1x150xi32> to vector<1x150xf32>
    %concatenate3A_355 = tpu.concatenate %convert_element_type3A_354, %broadcast_in_dim3A_345 in 1 : vector<1x150xf32>, vector<1x2xf32> -> vector<1x152xf32>
    %swap3A_356 = arith.constant 7 : index
    %swap3A_357 = arith.constant 0 : index
    %swap3A_358 = arith.constant 0 : index
    %swap3A_359 = vector.load %arg3[%swap3A_356, %swap3A_357, %swap3A_358] : memref<8x1x152xf32, #tpu.memory_space<vmem>>, vector<1x1x152xf32>
    %swap3A_360 = vector.shape_cast %swap3A_359 : vector<1x1x152xf32> to vector<1x152xf32>
    %swap3A_361 = vector.shape_cast %concatenate3A_355 : vector<1x152xf32> to vector<1x1x152xf32>
    tpu.vector_store %arg3[%swap3A_356, %swap3A_357, %swap3A_358], %swap3A_361 {strides = array<i32>} : memref<8x1x152xf32, #tpu.memory_space<vmem>>, vector<1x1x152xf32>,
    return
  }
  func.func @transform_0(%arg0: i32) -> (i32, i32, i32) {
    %c0_i32 = arith.constant 0 : i32
    %c0_i32_0 = arith.constant 0 : i32
    %c0_i32_1 = arith.constant 0 : i32
    return %arg0, %c0_i32, %c0_i32_0 : i32, i32, i32
  }
  func.func @transform_1(%arg0: i32) -> (i32, i32, i32) {
    %c0_i32 = arith.constant 0 : i32
    %c0_i32_0 = arith.constant 0 : i32
    %c0_i32_1 = arith.constant 0 : i32
    return %arg0, %c0_i32, %c0_i32_0 : i32, i32, i32
  }
  func.func @transform_2(%arg0: i32) -> (i32, i32, i32) {
    %c0_i32 = arith.constant 0 : i32
    %c0_i32_0 = arith.constant 0 : i32
    %c0_i32_1 = arith.constant 0 : i32
    return %arg0, %c0_i32, %c0_i32_0 : i32, i32, i32
  }
}

</mosaic_0001>

<sc_bundles>
// kernel: kernel.4.cloned.1.call-start
scs
__scs_entry_jumppad:
0x0: {  	(pc) =	sbr.rel $0x88, $3  }
0x1: {  	(tag) =	ssettag $0x0;
	lr =	simm.s32 $0x1  }
0x2: {  	[smem:$0x3F9F] =	sst lr;
	_ =	strace $0xD0000000  }
0x3: {  	_ = 	snop  }
0x4: {  	_ = 	snop  }
0x5: {  	_ = 	snop  }
0x6: {  	_ = 	snop  }
0x7: {  	_ = 	snop  }
__scs_overlays_trampoline_lowered:
0x8: {  	[smem:$0x3FAE] =	sst s0  }
0x9: {  	[smem:$0x3FAF] =	sst s1  }
0xa: {  	[smem:$0x3FB0] =	sst s2  }
0xb: {  	[smem:$0x3FB1] =	sst s3  }
0xc: {  	[smem:$0x3FB2] =	sst s4  }
0xd: {  	[smem:$0x3FB3] =	sst s5  }
0xe: {  	[smem:$0x3FB4] =	sst s6  }
0xf: {  	[smem:$0x3FB5] =	sst s7  }
0x10: {  	[smem:$0x3FB6] =	sst s8  }
0x11: {  	[smem:$0x3FB7] =	sst s9;
	s0 =	simm.s32 @!p0 $0x0  }
0x12: {  	s1 =	sld [smem:$0x3F9D];
	s0 =	simm.s32 @p0 $0x1  }
0x13: {  	[smem:$0x3FB8] =	sst s0;
	s0 =	simm.s32 @!p1 $0x0  }
0x14: {  	s2 =	sld [smem:$0x3F9C];
	s0 =	simm.s32 @p1 $0x1  }
0x15: {  	[smem:$0x3FB9] =	sst s0;
	s0 =	simm.s32 @!p2 $0x0  }
0x16: {  	s3 =	sld [smem:$0x3FDB];
	s0 =	simm.s32 @p2 $0x1  }
0x17: {  	s4 =	simm.s32 $0x1BF5;
	[smem:$0x3FBB] =	sst s0  }
0x18: {  	s0 =	sld [smem:$0x3F9E];
	_ =	swait.ge [sflag:s4], $0x0  }
0x19: {  	s7 =	sld [smem:$0x3F9F]  }
0x1a: {  	s8 =	sadd.s32 $0xFFFFE003, lr  }
0x1b: {  	s9 =	sadd.s32 $0xFFFFFEF7, lr;
	s5 =	simm.s32 $0xFFFFFFFF;
	p2 =	slt.u32 s8, $0xFFFFF086  }
0x1c: {  	p1 =	slt.u32 s9, $0xF7A;
	s5 =	simm.s32 @!p2 $0x0  }
0x1d: {  	s5 =	simm.s32 @p1 $0x1;
	p0 =	seq.s32 s7, s2  }
0x1e: {  	s7 =	smul.u32 @!p0 $0xF7A, s2;
	p2 =	seq.s32 @!p0 s5, $0x0  }
0x1f: {  	s9 =	smul.u32 $0xF7A, s1;
	s8 =	simm.s32 @!p0 $0x1BF5;
	p2 =	por !p2, p0  }
0x20: {  	[sflag:s8] =	ssyncset.s32 @!p0 $0xFFFFF086;
	s6 =	sadd.s32 @!p0 s3, s7;
	s7 =	simm.s32 @!p0 $0x108  }
0x21: {  	s3 =	sadd.s32 s3, s9;
	s6 =	sadd.s32 @!p0 $0x88, s6;
	s7 =	simm.s32 @p2 $0x1082  }
0x22: {  	[simem:s7], [sflag:s8] =	dma.local @!p0 [hbm:s6], $0xF7A  }
0x23: {  	s9 =	sor.u32 $0xD0000000, s2;
	s6 =	simm.s32 $0x108;
	_ =	swait.ge @!p0 [sflag:s8], $0x0  }
0x24: {  	s3 =	sadd.s32 $0x88, s3;
	s6 =	simm.s32 @!p1 $0x1082;
	[sflag:s4] =	ssyncset.s32 $0xFFFFF086  }
0x25: {  	[simem:s6], [sflag:s4] =	dma.local [hbm:s3], $0xF7A  }
0x26: {  	[smem:$0x3F9F] =	sst s1;
	(tag) =	ssettag s2;
	_ =	strace s9  }
0x27: {  	s1 =	sld [smem:$0x3FAF]  }
0x28: {  	s2 =	sld [smem:$0x3FB0]  }
0x29: {  	s4 =	sld [smem:$0x3FB2]  }
0x2a: {  	p0 =	seq.s32 s5, $0x0;
	s5 =	sld [smem:$0x3FB3]  }
0x2b: {  	s6 =	sld [smem:$0x3FB4]  }
0x2c: {  	s7 =	sld [smem:$0x3FB5]  }
0x2d: {  	s3 =	simm.s32 $0x108;
	s8 =	sld [smem:$0x3FB6]  }
0x2e: {  	s3 =	simm.s32 @!p0 $0x1082;
	s9 =	sld [smem:$0x3FB7]  }
0x2f: {  	lr =	sadd.s32 s0, s3;
	s0 =	sld [smem:$0x3FAE]  }
0x30: {  	s3 =	sld [smem:$0x3FB1]  }
0x31: {  	[smem:$0x3FBA] =	sst s10  }
0x32: {  	s10 =	sld [smem:$0x3FB8];
	_ =	sdelay $0x3  }
0x33: {  	p0 =	seq.s32 s10, $0x1;
	s10 =	sld [smem:$0x3FBA];
	_ =	sdelay $0x3  }
0x34: {  	[smem:$0x3FBA] =	sst s10  }
0x35: {  	s10 =	sld [smem:$0x3FB9];
	_ =	sdelay $0x3  }
0x36: {  	p1 =	seq.s32 s10, $0x1;
	s10 =	sld [smem:$0x3FBA];
	_ =	sdelay $0x3  }
0x37: {  	[smem:$0x3FBA] =	sst s10  }
0x38: {  	s10 =	sld [smem:$0x3FBB]  }
0x39: {  	_ = 	snop;
	(pc) =	sbr.ind lr, $3  }
0x3a: {  	_ = 	snop  }
0x3b: {  	_ = 	snop  }
0x3c: {  	p2 =	seq.s32 s10, $0x1;
	s10 =	sld [smem:$0x3FBA]  }
0x3d: {  	_ =	shalt  }
0x3e: {  	_ =	shalt  }
0x3f: {  	_ =	shalt  }
0x40: {  	_ =	shalt  }
0x41: {  	_ =	shalt  }
0x42: {  	_ =	shalt  }
0x43: {  	_ =	shalt  }
0x44: {  	_ =	shalt  }
0x45: {  	_ =	shalt  }
0x46: {  	_ =	shalt  }
0x47: {  	_ =	shalt  }
0x48: {  	_ =	shalt  }
0x49: {  	_ =	shalt  }
0x4a: {  	_ =	shalt  }
0x4b: {  	_ =	shalt  }
0x4c: {  	_ =	shalt  }
0x4d: {  	_ =	shalt  }
0x4e: {  	_ =	shalt  }
0x4f: {  	_ =	shalt  }
0x50: {  	_ =	shalt  }
0x51: {  	_ =	shalt  }
0x52: {  	_ =	shalt  }
0x53: {  	_ =	shalt  }
0x54: {  	_ =	shalt  }
0x55: {  	_ =	shalt  }
0x56: {  	_ =	shalt  }
0x57: {  	_ =	shalt  }
0x58: {  	_ =	shalt  }
0x59: {  	_ =	shalt  }
0x5a: {  	_ =	shalt  }
0x5b: {  	_ =	shalt  }
0x5c: {  	_ =	shalt  }
0x5d: {  	_ =	shalt  }
0x5e: {  	_ =	shalt  }
0x5f: {  	_ =	shalt  }
0x60: {  	_ =	shalt  }
0x61: {  	_ =	shalt  }
0x62: {  	_ =	shalt  }
0x63: {  	_ =	shalt  }
0x64: {  	_ =	shalt  }
0x65: {  	_ =	shalt  }
0x66: {  	_ =	shalt  }
0x67: {  	_ =	shalt  }
0x68: {  	_ =	shalt  }
0x69: {  	_ =	shalt  }
0x6a: {  	_ =	shalt  }
0x6b: {  	_ =	shalt  }
0x6c: {  	_ =	shalt  }
0x6d: {  	_ =	shalt  }
0x6e: {  	_ =	shalt  }
0x6f: {  	_ =	shalt  }
0x70: {  	_ =	shalt  }
0x71: {  	_ =	shalt  }
0x72: {  	_ =	shalt  }
0x73: {  	_ =	shalt  }
0x74: {  	_ =	shalt  }
0x75: {  	_ =	shalt  }
0x76: {  	_ =	shalt  }
0x77: {  	_ =	shalt  }
0x78: {  	_ =	shalt  }
0x79: {  	_ =	shalt  }
0x7a: {  	_ =	shalt  }
0x7b: {  	_ =	shalt  }
0x7c: {  	_ =	shalt  }
0x7d: {  	_ =	shalt  }
0x7e: {  	_ =	shalt  }
0x7f: {  	_ =	shalt  }
0x80: {  	_ =	shalt  }
0x81: {  	_ =	shalt  }
0x82: {  	_ =	shalt  }
0x83: {  	_ =	shalt  }
0x84: {  	_ =	shalt  }
0x85: {  	_ =	shalt  }
0x86: {  	_ =	shalt  }
0x87: {  	_ =	shalt  }
.Lfunc_end0:
.L_simem_size_0:
called_computation_lowered:
.L_overlay_start_0:
0x88: {  	s2 =	sld [smem:$0x3FD9]  }
0x89: {  	s3 =	sld [smem:$0x3FFE];
	_ =	sdelay $0x1  }
0x8a: {  	s1 =	srdreg.scid  }
0x8b: {  	s0 =	sand.u32 $0x1, s1  }
0x8c: {  	s17 =	sshll.u32 s0, $0xA;
	s2 =	sadd.s32 s3, s2  }
0x8d: {  	s2 =	sadd.s32 s2, s17  }
0x8e: {  	[smem:$0x3FC6] =	sst s2  }
0x8f: {  	_ = 	snop  }
0x90: {  	s2 =	sld [smem:$0x3FC9]  }
0x91: {  	s18 =	sld [smem:$0x3FD0];
	(tm) =	ssettm $0x1  }
0x92: {  	s4 =	sld [smem:$0x3FFB];
	_ =	sdelay $0x3  }
0x93: {  	_ =	strace s4  }
0x94: {  	s4 =	sld [smem:$0x3FFC];
	_ =	sdelay $0x3  }
0x95: {  	_ =	strace s4  }
0x96: {  	s4 =	sld [smem:$0x3FFD];
	_ =	sdelay $0x3  }
0x97: {  	_ =	strace s4  }
0x98: {  	_ =	strace $0x8FFFFFFF  }
0x99: {  	s19 =	sld [smem:$0x3FDB];
	_ =	sdelay $0x1  }
0x9a: {  	s5 =	simm.s32 $_scs_section_size  }
0x9b: {  	s6 =	simm.s32 $_size__tile_overlayer_lowered;
	s7 =	simm.s32 $_tile_overlayer_lowered  }
0x9c: {  	s22 =	simm.s32 $0x1BFF;
	s21 =	sshll.u32 s7, $0x1;
	s4 =	sadd.s32 s5, s19  }
0x9d: {  	s8 =	simm.s32 $0x0;
	s20 =	sshll.u32 s6, $0x1;
	s6 =	sadd.s32 s21, s4  }
0x9e: {  	[timem:s8], [sflag:s22] =	dma.local [hbm:s6], s20  }
0x9f: {  	_ =	swait.ge [sflag:s22], s20  }
0xa0: {  	s5 =	ssub.s32 $0x0, s20;
	[sflag:s22] =	ssyncset.done $0x0  }
0xa1: {  	[sflag:s22] =	ssyncadd.s32 s5;
	_ =	sdelay $0x1  }
0xa2: {  	s23 =	simm.s32 $0x1B8B  }
0xa3: {  	_ =	swait.ge [sflag:s23], $0x1  }
0xa4: {  	[sflag:s23] =	ssyncset.done $0x0  }
0xa5: {  	s25 =	simm.s32 $0x1B8E;
	s24 =	sld [smem:$0x3FFE];
	[sflag:s23] =	ssyncadd.s32 $0xFFFFFFFF  }
0xa6: {  	s26 =	simm.s32 $execute0_lowered;
	[smem:$0x3FD2] =	sst s25  }
0xa7: {  	s6 =	sshll.u32 s26, $0x1;
	_ =	strace $0x80000046;
	[dreg:$0x1] =	wrdreg $0xFFFFFFFF  }
0xa8: {  	s28 =	simm.s32 $_size_execute0_lowered;
	s4 =	sadd.s32 s4, s6;
	[dreg:$0x0] =	wrdreg $0x0  }
0xa9: {  	s6 =	sshll.u32 s28, $0x1;
	[dreg:$0x2] =	wrdreg s4  }
0xaa: {  	[dreg:$0x3] =	wrdreg s6  }
0xab: {  	[dreg:$0x4] =	wrdreg $0xC0  }
0xac: {  	_ =	task [dreg:s8], $0x5FFFF  }
0xad: {  	[dreg:$0x1] =	wrdreg $0xFFFFFFFF  }
0xae: {  	[dreg:$0x0] =	wrdreg $0x60  }
0xaf: {  	[dreg:$0x2] =	wrdreg s2  }
0xb0: {  	[dreg:$0x3] =	wrdreg s18  }
0xb1: {  	[dreg:$0x4] =	wrdreg s24  }
0xb2: {  	[dreg:$0x5] =	wrdreg $0x9  }
0xb3: {  	_ =	task.clear_ibuf [dreg:s8], $0x6FFFF;
	_ =	strace $0x90000046  }
0xb4: {  	s29 =	simm.s32 $0x9;
	_ =	strace $0x80000048  }
0xb5: {  	_ =	swait.ge [sflag:s29], $0x1  }
0xb6: {  	[sflag:s29] =	ssyncadd.s32 $0xFFFFFFFF  }
0xb7: {  	_ =	strace $0x90000048  }
0xb8: {  	_ =	sfence  }
0xb9: {  	s30 =	sld [smem:$0x0];
	_ =	sdelay $0x2  }
0xba: {  	s31 =	sshll.u32 s1, $0xD;
	s1 =	sshrl.u32 s1, $0x2  }
0xbb: {  	s3 =	sand.u32 $0x4000, s31;
	s1 =	sadd.s32 s1, s30  }
0xbc: {  	s0 =	sor.u32 s3, s0;
	s1 =	sshll.u32 s1, $0x11  }
0xbd: {  	s0 =	sor.u32 s1, s0  }
0xbe: {  	s0 =	sadd.s32 $0x8F2B, s0  }
0xbf: {  	[sflag:s0] =	ssyncadd.remote.s32 $0x1  }
0xc0: {  	_ =	sfence.sel $0xFFFF  }
0xc1: {  	[dreg:$0x0] =	wrdreg $0xFFFFFFFF;
	(pc) =	sbr.abs _section_cstart, $3  }
0xc2: {  	[dreg:$0x1] =	wrdreg $0xFFFFFFFF  }
0xc3: {  	_ =	task.clear_ibuf [dreg:s8], $0x2FFFF;
	_ =	strace $0x9FFFFFFF  }
0xc4: {  	(tm) =	ssettm $0x7FFFFFFF  }
0xc5: {  	_ =	shalt  }
tec
execute0_lowered:
.L_overlay_start_1:
0x0: {  	(tag) =	ssettag $0x1  }
0x1: {  	s10 =	rddreg [dreg:$0x0]  }
0x2: {  	s8 =	rddreg [dreg:$0x1]  }
0x3: {  	s1 =	srdreg.scid;
	s0 =	stileid.u32  }
0x4: {  	s9 =	rddreg [dreg:$0x2];
	s2 =	simm.s32 $0x0;
	s17 =	simm.s32 $0x10000  }
0x5: {  	s18 =	simm.s32 $0x0;
	s3 =	sand.u32 $0x1, s1;
	s1 =	rddreg [dreg:$0x3]  }
0x6: {  	s4 =	sshll.u32 s0, $0x1;
	[smem:$0x7FF] =	sst s2;
	s12 =	sadd.s32 $0x600, s9  }
0x7: {  	s14 =	sadd.s32 $0x2000, s10;
	s5 =	sor.u32 s3, s4;
	s3 =	ssub.s32 $0x2, s3  }
0x8: {  	_ =	strace $0x80000047;
	s4 =	smul.u32 $0x26, s5;
	s6 =	sshrl.u32 s3, $0x1  }
0x9: {  	s11 =	sshllo.u32 s5, $0x1;
	s31 =	sshll.u32 s5, $0xF;
	s7 =	smul.u32 $0x1300, s5  }
0xa: {  	s13 =	ssub.s32 s3, s6;
	s5 =	sadd.s32 s10, s31;
	s15 =	smul.u32 $0x13, s11  }
0xb: {  	s6 =	sadd.s32 s31, s14;
	s16 =	smul.u32 $0x980, s11;
	s11 =	sshll.u32 s11, $0xE  }
0xc: {  	s3 =	sadd.s32 s8, s4;
	s4 =	sadd.s32 s9, s4;
	s7 =	sadd.s32 s12, s7  }
0xd: {  	s10 =	sadd.s32 s10, s11;
	s11 =	sadd.s32 s11, s14;
	s13 =	smax.u32 s13, $0x1  }
0xe: {  	s14 =	simm.s32 $0x14C00;
	s8 =	sadd.s32 s8, s15;
	s9 =	sadd.s32 s9, s15  }
0xf: {  	s12 =	sadd.s32 s12, s16;
	s15 =	simm.s32 $0x1;
	s16 =	simm.s32 $0x14D00  }
.LBB2_1:
0x10: {  	[tilespmem:s14], [sflag:$0x1] =	stream.linear.gather [hbm4b:s3+s2], $0x98, $0x38;
	[tilespmem:$0x14E00] =	vst v63  }
0x11: {  	_ =	swait.ge [sflag:s15], $0x98  }
0x12: {  	[sflag:s15] =	ssyncset.done $0x0  }
0x13: {  	[sflag:s15] =	ssyncadd.s32 $0xFFFFFF68  }
0x14: {  	[tilespmem:s16], [sflag:$0x1] =	stream.linear.gather [hbm4b:s4+s2], $0x98, $0x38;
	[tilespmem:$0x14E00] =	vst v63  }
0x15: {  	_ =	swait.ge [sflag:s15], $0x98  }
0x16: {  	[sflag:s15] =	ssyncset.done $0x0  }
0x17: {  	[sflag:s15] =	ssyncadd.s32 $0xFFFFFF68  }
0x18: {  	[tilespmem:s2], [sflag:$0x1] =	stream.linear.gather [hbm4b:s5+s2], $0x10000, $0x38;
	[tilespmem:$0x14E00] =	vst v63  }
0x19: {  	_ =	swait.ge [sflag:s15], $0x10000  }
0x1a: {  	[sflag:s15] =	ssyncset.done $0x0  }
0x1b: {  	s19 =	simm.s32 $0x0;
	[sflag:s15] =	ssyncadd.s32 $0xFFFF0000  }
0x1c: {  	v0 =	vld [tilespmem:s19+$0x14C00];
	_ =	sdelay $0x4  }
0x1d: {  	(v2sf) =	vpush v0, $0x0;
	_ =	sdelay $0xe  }
0x1e: {  	s20 =	spop (v2sf)  }
0x1f: {  	p0 =	sgt.s32 s20, $0x0  }
0x20: {  	s20 =	simm.s32 @!p0 $0x0  }
0x21: {  	s20 =	smin.u32 s20, $0x1FF  }
0x22: {  	v63 =	vld.msk [tilespmem:s19+$0x14D00 ss:$0x0], $0xffff;
	s20 =	sshll.u32 s20, $0x7  }
0x23: {  	v1 =	vld [tilespmem:s20+$0x0];
	_ =	sdelay $0x4  }
0x24: {  	v1 =	vmul.f32 v63, v1  }
0x25: {  	s19 =	simm.s32 $0x10030  }
0x26: {  	[tilespmem:s19+$0xFFFFFFD0] =	vst v1  }
0x27: {  	v1 =	vld [tilespmem:s20+$0x10];
	_ =	sdelay $0x4  }
0x28: {  	v1 =	vmul.f32 v1, v63;
	_ =	sdelay $0x1  }
0x29: {  	[tilespmem:s19+$0xFFFFFFE0] =	vst v1  }
0x2a: {  	v1 =	vld [tilespmem:s20+$0x20];
	_ =	sdelay $0x4  }
0x2b: {  	v1 =	vmul.f32 v1, v63;
	_ =	sdelay $0x1  }
0x2c: {  	[tilespmem:s19+$0xFFFFFFF0] =	vst v1  }
0x2d: {  	v1 =	vld [tilespmem:s20+$0x30];
	_ =	sdelay $0x4  }
0x2e: {  	v1 =	vmul.f32 v1, v63;
	_ =	sdelay $0x1  }
0x2f: {  	[tilespmem:s19+$0x0] =	vst v1  }
0x30: {  	v1 =	vld [tilespmem:s20+$0x40];
	_ =	sdelay $0x4  }
0x31: {  	v1 =	vmul.f32 v1, v63;
	_ =	sdelay $0x1  }
0x32: {  	[tilespmem:s19+$0x10] =	vst v1  }
0x33: {  	v1 =	vld [tilespmem:s20+$0x50];
	_ =	sdelay $0x4  }
0x34: {  	v0 =	vmul.f32 v1, v63;
	_ =	sdelay $0x1  }
0x35: {  	s21 =	simm.s32 $0x1;
	s20 =	simm.s32 $0x8;
	[tilespmem:s19+$0x20] =	vst v0  }
.LBB2_2:
0x36: {  	p0 =	sne.s32 s20, $0x254;
	v0 =	vld [tilespmem:s21+$0x14C00]  }
0x37: {  	v1 =	vld.msk [tilespmem:s21+$0x14D00 ss:$0x0], $0xffff;
	_ =	sdelay $0x3  }
0x38: {  	(v2sf) =	vpush v0, $0x0;
	_ =	sdelay $0xe  }
0x39: {  	s21 =	spop (v2sf)  }
0x3a: {  	p1 =	sgt.s32 s21, $0x0  }
0x3b: {  	s21 =	simm.s32 @!p1 $0x0  }
0x3c: {  	s21 =	smin.u32 s21, $0x1FF  }
0x3d: {  	s21 =	sshll.u32 s21, $0x7  }
0x3e: {  	v0 =	vld [tilespmem:s21+$0x0];
	_ =	sdelay $0x4  }
0x3f: {  	v0 =	vmul.f32 v1, v0  }
0x40: {  	s19 =	sadd.s32 $0x80, s19  }
0x41: {  	[tilespmem:s19+$0xFFFFFFD0] =	vst v0  }
0x42: {  	v0 =	vld [tilespmem:s21+$0x10];
	_ =	sdelay $0x4  }
0x43: {  	v0 =	vmul.f32 v0, v1;
	_ =	sdelay $0x1  }
0x44: {  	[tilespmem:s19+$0xFFFFFFE0] =	vst v0  }
0x45: {  	v0 =	vld [tilespmem:s21+$0x20];
	_ =	sdelay $0x4  }
0x46: {  	v0 =	vmul.f32 v0, v1;
	_ =	sdelay $0x1  }
0x47: {  	[tilespmem:s19+$0xFFFFFFF0] =	vst v0  }
0x48: {  	v0 =	vld [tilespmem:s21+$0x30];
	_ =	sdelay $0x4  }
0x49: {  	v0 =	vmul.f32 v0, v1;
	_ =	sdelay $0x1  }
0x4a: {  	[tilespmem:s19+$0x0] =	vst v0  }
0x4b: {  	v0 =	vld [tilespmem:s21+$0x40];
	_ =	sdelay $0x4  }
0x4c: {  	v0 =	vmul.f32 v0, v1;
	_ =	sdelay $0x1  }
0x4d: {  	[tilespmem:s19+$0x10] =	vst v0  }
0x4e: {  	v0 =	vld [tilespmem:s21+$0x50];
	_ =	sdelay $0x2  }
.Ltmp0:
0x4f: {  	(pc) =	sbr.rel @p0 .LBB2_2-.Ltmp0, $3  }
0x50: {  	_ = 	snop  }
0x51: {  	v0 =	vmul.f32 v0, v1;
	_ =	sdelay $0x1  }
0x52: {  	s21 =	sshra.s32 s20, $0x2;
	s20 =	sadd.s32 $0x4, s20;
	[tilespmem:s19+$0x20] =	vst v0  }
0x53: {  	v0 =	vld [tilespmem:s21+$0x14C00];
	_ =	sdelay $0x4  }
0x54: {  	(v2sf) =	vpush v0, $0x0;
	_ =	sdelay $0xe  }
0x55: {  	s20 =	spop (v2sf)  }
0x56: {  	p0 =	sgt.s32 s20, $0x0  }
0x57: {  	s20 =	simm.s32 @!p0 $0x0  }
0x58: {  	s20 =	smin.u32 s20, $0x1FF  }
0x59: {  	v55 =	vld.msk [tilespmem:s21+$0x14D00 ss:$0x0], $0xffff;
	s20 =	sshll.u32 s20, $0x7  }
0x5a: {  	v1 =	vld [tilespmem:s20+$0x0];
	_ =	sdelay $0x4  }
0x5b: {  	v1 =	vmul.f32 v55, v1  }
0x5c: {  	s19 =	sadd.s32 $0x80, s19  }
0x5d: {  	[tilespmem:s19+$0xFFFFFFD0] =	vst v1  }
0x5e: {  	v1 =	vld [tilespmem:s20+$0x10];
	_ =	sdelay $0x4  }
0x5f: {  	v1 =	vmul.f32 v1, v55;
	_ =	sdelay $0x1  }
0x60: {  	[tilespmem:s19+$0xFFFFFFE0] =	vst v1  }
0x61: {  	v1 =	vld [tilespmem:s20+$0x20];
	_ =	sdelay $0x4  }
0x62: {  	v1 =	vmul.f32 v1, v55;
	_ =	sdelay $0x1  }
0x63: {  	[tilespmem:s19+$0xFFFFFFF0] =	vst v1  }
0x64: {  	v1 =	vld [tilespmem:s20+$0x30];
	_ =	sdelay $0x4  }
0x65: {  	v1 =	vmul.f32 v1, v55;
	_ =	sdelay $0x1  }
0x66: {  	[tilespmem:s19+$0x0] =	vst v1  }
0x67: {  	v1 =	vld [tilespmem:s20+$0x40];
	_ =	sdelay $0x4  }
0x68: {  	v1 =	vmul.f32 v1, v55;
	_ =	sdelay $0x1  }
0x69: {  	[tilespmem:s19+$0x10] =	vst v1  }
0x6a: {  	v1 =	vld [tilespmem:s20+$0x50];
	_ =	sdelay $0x4  }
0x6b: {  	v0 =	vmul.f32 v1, v55;
	_ =	sdelay $0x1  }
0x6c: {  	s29 =	simm.s32 $0x0;
	[tilespmem:s19+$0x20] =	vst v0  }
0x6d: {  	[tilespmem:s29], [sflag:$0x1] =	stream.linear.gather [hbm4b:s6+s29], $0x10000, $0x38;
	[tilespmem:$0x14E00] =	vst v63  }
0x6e: {  	_ =	swait.ge [sflag:s15], $0x10000  }
0x6f: {  	[sflag:s15] =	ssyncset.done $0x0  }
0x70: {  	s30 =	simm.s32 $0x0;
	[sflag:s15] =	ssyncadd.s32 $0xFFFF0000  }
0x71: {  	v56 =	vld [tilespmem:s30+$0x14C00];
	_ =	sdelay $0x4  }
0x72: {  	(v2sf) =	vpush v56, $0x0;
	_ =	sdelay $0xe  }
0x73: {  	s31 =	spop (v2sf)  }
0x74: {  	s21 =	sadd.s32 $0xFFFFFE00, s31  }
0x75: {  	p0 =	sgt.s32 s21, $0x0  }
0x76: {  	s21 =	simm.s32 @!p0 $0x0  }
0x77: {  	s21 =	smin.u32 s21, $0x1FF  }
0x78: {  	v57 =	vld.msk [tilespmem:s30+$0x14D00 ss:$0x0], $0xffff;
	s21 =	sshll.u32 s21, $0x7  }
0x79: {  	v58 =	vld [tilespmem:s21+$0x0]  }
0x7a: {  	s19 =	simm.s32 $0x10030  }
0x7b: {  	v2 =	vld [tilespmem:s19+$0xFFFFFFD0];
	_ =	sdelay $0x2  }
0x7c: {  	v1 =	vmul.f32 v57, v58  }
0x7d: {  	p6 =	sgt.s32 s31, $0x1FF  }
0x7e: {  	v1 =	vpsel p6, v1, v2  }
0x7f: {  	[tilespmem:s19+$0xFFFFFFD0] =	vst v1  }
0x80: {  	v1 =	vld [tilespmem:s21+$0x10];
	_ =	sdelay $0x1  }
0x81: {  	v59 =	vld [tilespmem:s19+$0xFFFFFFE0];
	_ =	sdelay $0x2  }
0x82: {  	v1 =	vmul.f32 v1, v57;
	_ =	sdelay $0x1  }
0x83: {  	v1 =	vpsel p6, v1, v59  }
0x84: {  	[tilespmem:s19+$0xFFFFFFE0] =	vst v1  }
0x85: {  	v1 =	vld [tilespmem:s21+$0x20];
	_ =	sdelay $0x1  }
0x86: {  	v60 =	vld [tilespmem:s19+$0xFFFFFFF0];
	_ =	sdelay $0x2  }
0x87: {  	v1 =	vmul.f32 v1, v57;
	_ =	sdelay $0x1  }
0x88: {  	v1 =	vpsel p6, v1, v60  }
0x89: {  	[tilespmem:s19+$0xFFFFFFF0] =	vst v1  }
0x8a: {  	v1 =	vld [tilespmem:s21+$0x30];
	_ =	sdelay $0x1  }
0x8b: {  	v61 =	vld [tilespmem:s19+$0x0];
	_ =	sdelay $0x2  }
0x8c: {  	v1 =	vmul.f32 v1, v57;
	_ =	sdelay $0x1  }
0x8d: {  	v1 =	vpsel p6, v1, v61  }
0x8e: {  	[tilespmem:s19+$0x0] =	vst v1  }
0x8f: {  	v1 =	vld [tilespmem:s21+$0x40];
	_ =	sdelay $0x1  }
0x90: {  	v62 =	vld [tilespmem:s19+$0x10];
	_ =	sdelay $0x2  }
0x91: {  	v1 =	vmul.f32 v1, v57;
	_ =	sdelay $0x1  }
0x92: {  	v1 =	vpsel p6, v1, v62  }
0x93: {  	[tilespmem:s19+$0x10] =	vst v1  }
0x94: {  	v1 =	vld [tilespmem:s21+$0x50];
	_ =	sdelay $0x1  }
0x95: {  	v63 =	vld [tilespmem:s19+$0x20];
	_ =	sdelay $0x2  }
0x96: {  	v0 =	vmul.f32 v1, v57;
	_ =	sdelay $0x1  }
0x97: {  	v0 =	vpsel p6, v0, v63  }
0x98: {  	s20 =	simm.s32 $0x8;
	s21 =	simm.s32 $0x1;
	[tilespmem:s19+$0x20] =	vst v0  }
.LBB2_4:
0x99: {  	p0 =	sne.s32 s20, $0x254;
	v0 =	vld [tilespmem:s21+$0x14C00]  }
0x9a: {  	v1 =	vld.msk [tilespmem:s21+$0x14D00 ss:$0x0], $0xffff;
	_ =	sdelay $0x3  }
0x9b: {  	(v2sf) =	vpush v0, $0x0;
	_ =	sdelay $0xe  }
0x9c: {  	s22 =	spop (v2sf)  }
0x9d: {  	s21 =	sadd.s32 $0xFFFFFE00, s22  }
0x9e: {  	p1 =	sgt.s32 s21, $0x0  }
0x9f: {  	s21 =	simm.s32 @!p1 $0x0  }
0xa0: {  	s21 =	smin.u32 s21, $0x1FF  }
0xa1: {  	s21 =	sshll.u32 s21, $0x7  }
0xa2: {  	v0 =	vld [tilespmem:s21+$0x0]  }
0xa3: {  	s19 =	sadd.s32 $0x80, s19  }
0xa4: {  	v2 =	vld [tilespmem:s19+$0xFFFFFFD0];
	_ =	sdelay $0x2  }
0xa5: {  	v0 =	vmul.f32 v1, v0  }
0xa6: {  	p1 =	sgt.s32 s22, $0x1FF  }
0xa7: {  	v0 =	vpsel p1, v0, v2  }
0xa8: {  	[tilespmem:s19+$0xFFFFFFD0] =	vst v0  }
0xa9: {  	v0 =	vld [tilespmem:s21+$0x10];
	_ =	sdelay $0x1  }
0xaa: {  	v2 =	vld [tilespmem:s19+$0xFFFFFFE0];
	_ =	sdelay $0x2  }
0xab: {  	v0 =	vmul.f32 v0, v1;
	_ =	sdelay $0x1  }
0xac: {  	v0 =	vpsel p1, v0, v2  }
0xad: {  	[tilespmem:s19+$0xFFFFFFE0] =	vst v0  }
0xae: {  	v0 =	vld [tilespmem:s21+$0x20];
	_ =	sdelay $0x1  }
0xaf: {  	v2 =	vld [tilespmem:s19+$0xFFFFFFF0];
	_ =	sdelay $0x2  }
0xb0: {  	v0 =	vmul.f32 v0, v1;
	_ =	sdelay $0x1  }
0xb1: {  	v0 =	vpsel p1, v0, v2  }
0xb2: {  	[tilespmem:s19+$0xFFFFFFF0] =	vst v0  }
0xb3: {  	v0 =	vld [tilespmem:s21+$0x30];
	_ =	sdelay $0x1  }
0xb4: {  	v2 =	vld [tilespmem:s19+$0x0];
	_ =	sdelay $0x2  }
0xb5: {  	v0 =	vmul.f32 v0, v1;
	_ =	sdelay $0x1  }
0xb6: {  	v0 =	vpsel p1, v0, v2  }
0xb7: {  	[tilespmem:s19+$0x0] =	vst v0  }
0xb8: {  	v0 =	vld [tilespmem:s21+$0x40];
	_ =	sdelay $0x1  }
0xb9: {  	v2 =	vld [tilespmem:s19+$0x10];
	_ =	sdelay $0x2  }
0xba: {  	v0 =	vmul.f32 v0, v1;
	_ =	sdelay $0x1  }
0xbb: {  	v0 =	vpsel p1, v0, v2  }
0xbc: {  	[tilespmem:s19+$0x10] =	vst v0  }
0xbd: {  	v0 =	vld [tilespmem:s21+$0x50];
	_ =	sdelay $0x1  }
0xbe: {  	v2 =	vld [tilespmem:s19+$0x20];
	_ =	sdelay $0x1  }
.Ltmp1:
0xbf: {  	(pc) =	sbr.rel @p0 .LBB2_4-.Ltmp1, $3  }
0xc0: {  	v0 =	vmul.f32 v0, v1;
	_ =	sdelay $0x1  }
0xc1: {  	v0 =	vpsel p1, v0, v2  }
0xc2: {  	s21 =	sshra.s32 s20, $0x2;
	s20 =	sadd.s32 $0x4, s20;
	[tilespmem:s19+$0x20] =	vst v0  }
0xc3: {  	v0 =	vld [tilespmem:s21+$0x14C00];
	_ =	sdelay $0x4  }
0xc4: {  	(v2sf) =	vpush v0, $0x0;
	_ =	sdelay $0xe  }
0xc5: {  	s20 =	spop (v2sf)  }
0xc6: {  	s22 =	sadd.s32 $0xFFFFFE00, s20  }
0xc7: {  	p0 =	sgt.s32 s22, $0x0  }
0xc8: {  	s22 =	simm.s32 @!p0 $0x0  }
0xc9: {  	s22 =	smin.u32 s22, $0x1FF  }
0xca: {  	v55 =	vld.msk [tilespmem:s21+$0x14D00 ss:$0x0], $0xffff;
	s29 =	sshll.u32 s22, $0x7  }
0xcb: {  	v1 =	vld [tilespmem:s29+$0x0]  }
0xcc: {  	s19 =	sadd.s32 $0x80, s19  }
0xcd: {  	v2 =	vld [tilespmem:s19+$0xFFFFFFD0];
	_ =	sdelay $0x2  }
0xce: {  	v1 =	vmul.f32 v55, v1  }
0xcf: {  	p6 =	sgt.s32 s20, $0x1FF  }
0xd0: {  	v1 =	vpsel p6, v1, v2  }
0xd1: {  	[tilespmem:s19+$0xFFFFFFD0] =	vst v1  }
0xd2: {  	v1 =	vld [tilespmem:s29+$0x10];
	_ =	sdelay $0x1  }
0xd3: {  	v56 =	vld [tilespmem:s19+$0xFFFFFFE0];
	_ =	sdelay $0x2  }
0xd4: {  	v1 =	vmul.f32 v1, v55;
	_ =	sdelay $0x1  }
0xd5: {  	v1 =	vpsel p6, v1, v56  }
0xd6: {  	[tilespmem:s19+$0xFFFFFFE0] =	vst v1  }
0xd7: {  	v1 =	vld [tilespmem:s29+$0x20];
	_ =	sdelay $0x1  }
0xd8: {  	v57 =	vld [tilespmem:s19+$0xFFFFFFF0];
	_ =	sdelay $0x2  }
0xd9: {  	v1 =	vmul.f32 v1, v55;
	_ =	sdelay $0x1  }
0xda: {  	v1 =	vpsel p6, v1, v57  }
0xdb: {  	[tilespmem:s19+$0xFFFFFFF0] =	vst v1  }
0xdc: {  	v1 =	vld [tilespmem:s29+$0x30];
	_ =	sdelay $0x1  }
0xdd: {  	v58 =	vld [tilespmem:s19+$0x0];
	_ =	sdelay $0x2  }
0xde: {  	v1 =	vmul.f32 v1, v55;
	_ =	sdelay $0x1  }
0xdf: {  	v1 =	vpsel p6, v1, v58  }
0xe0: {  	[tilespmem:s19+$0x0] =	vst v1  }
0xe1: {  	v1 =	vld [tilespmem:s29+$0x40];
	_ =	sdelay $0x1  }
0xe2: {  	v59 =	vld [tilespmem:s19+$0x10];
	_ =	sdelay $0x2  }
0xe3: {  	v1 =	vmul.f32 v1, v55;
	_ =	sdelay $0x1  }
0xe4: {  	v1 =	vpsel p6, v1, v59  }
0xe5: {  	[tilespmem:s19+$0x10] =	vst v1  }
0xe6: {  	v1 =	vld [tilespmem:s29+$0x50];
	_ =	sdelay $0x1  }
0xe7: {  	v60 =	vld [tilespmem:s19+$0x20];
	_ =	sdelay $0x2  }
0xe8: {  	v0 =	vmul.f32 v1, v55;
	_ =	sdelay $0x1  }
0xe9: {  	v0 =	vpsel p6, v0, v60  }
0xea: {  	s30 =	simm.s32 $0x0;
	[tilespmem:s19+$0x20] =	vst v0  }
0xeb: {  	[hbm4b:s7+s30] =	stream.linear.scatter [tilespmem:s17], [sflag:$0x1], $0x4B00, $0x38;
	[tilespmem:$0x14E00] =	vst v63  }
0xec: {  	_ =	swait.ge [sflag:s15], $0x4B00  }
0xed: {  	[sflag:s15] =	ssyncset.done $0x0  }
0xee: {  	[sflag:s15] =	ssyncadd.s32 $0xFFFFB500  }
0xef: {  	[tilespmem:s14], [sflag:$0x1] =	stream.linear.gather [hbm4b:s8+s30], $0x98, $0x38;
	[tilespmem:$0x14E00] =	vst v63  }
0xf0: {  	_ =	swait.ge [sflag:s15], $0x98  }
0xf1: {  	[sflag:s15] =	ssyncset.done $0x0  }
0xf2: {  	[sflag:s15] =	ssyncadd.s32 $0xFFFFFF68  }
0xf3: {  	[tilespmem:s16], [sflag:$0x1] =	stream.linear.gather [hbm4b:s9+s30], $0x98, $0x38;
	[tilespmem:$0x14E00] =	vst v63  }
0xf4: {  	_ =	swait.ge [sflag:s15], $0x98  }
0xf5: {  	[sflag:s15] =	ssyncset.done $0x0  }
0xf6: {  	[sflag:s15] =	ssyncadd.s32 $0xFFFFFF68  }
0xf7: {  	[tilespmem:s30], [sflag:$0x1] =	stream.linear.gather [hbm4b:s10+s30], $0x10000, $0x38;
	[tilespmem:$0x14E00] =	vst v63  }
0xf8: {  	_ =	swait.ge [sflag:s15], $0x10000  }
0xf9: {  	[sflag:s15] =	ssyncset.done $0x0  }
0xfa: {  	s31 =	simm.s32 $0x0;
	[sflag:s15] =	ssyncadd.s32 $0xFFFF0000  }
0xfb: {  	v61 =	vld [tilespmem:s31+$0x14C00];
	_ =	sdelay $0x4  }
0xfc: {  	(v2sf) =	vpush v61, $0x0;
	_ =	sdelay $0xe  }
0xfd: {  	s20 =	spop (v2sf)  }
0xfe: {  	p0 =	sgt.s32 s20, $0x0  }
0xff: {  	s20 =	simm.s32 @!p0 $0x0  }
0x100: {  	s20 =	smin.u32 s20, $0x1FF  }
0x101: {  	v62 =	vld.msk [tilespmem:s31+$0x14D00 ss:$0x0], $0xffff;
	s20 =	sshll.u32 s20, $0x7  }
0x102: {  	v63 =	vld [tilespmem:s20+$0x0];
	_ =	sdelay $0x4  }
0x103: {  	v1 =	vmul.f32 v62, v63  }
0x104: {  	s19 =	simm.s32 $0x10030  }
0x105: {  	[tilespmem:s19+$0xFFFFFFD0] =	vst v1  }
0x106: {  	v1 =	vld [tilespmem:s20+$0x10];
	_ =	sdelay $0x4  }
0x107: {  	v1 =	vmul.f32 v1, v62;
	_ =	sdelay $0x1  }
0x108: {  	[tilespmem:s19+$0xFFFFFFE0] =	vst v1  }
0x109: {  	v1 =	vld [tilespmem:s20+$0x20];
	_ =	sdelay $0x4  }
0x10a: {  	v1 =	vmul.f32 v1, v62;
	_ =	sdelay $0x1  }
0x10b: {  	[tilespmem:s19+$0xFFFFFFF0] =	vst v1  }
0x10c: {  	v1 =	vld [tilespmem:s20+$0x30];
	_ =	sdelay $0x4  }
0x10d: {  	v1 =	vmul.f32 v1, v62;
	_ =	sdelay $0x1  }
0x10e: {  	[tilespmem:s19+$0x0] =	vst v1  }
0x10f: {  	v1 =	vld [tilespmem:s20+$0x40];
	_ =	sdelay $0x4  }
0x110: {  	v1 =	vmul.f32 v1, v62;
	_ =	sdelay $0x1  }
0x111: {  	[tilespmem:s19+$0x10] =	vst v1  }
0x112: {  	v1 =	vld [tilespmem:s20+$0x50];
	_ =	sdelay $0x4  }
0x113: {  	v0 =	vmul.f32 v1, v62;
	_ =	sdelay $0x1  }
0x114: {  	s21 =	simm.s32 $0x1;
	s20 =	simm.s32 $0x8;
	[tilespmem:s19+$0x20] =	vst v0  }
.LBB2_6:
0x115: {  	p0 =	sne.s32 s20, $0x254;
	v0 =	vld [tilespmem:s21+$0x14C00]  }
0x116: {  	v1 =	vld.msk [tilespmem:s21+$0x14D00 ss:$0x0], $0xffff;
	_ =	sdelay $0x3  }
0x117: {  	(v2sf) =	vpush v0, $0x0;
	_ =	sdelay $0xe  }
0x118: {  	s21 =	spop (v2sf)  }
0x119: {  	p1 =	sgt.s32 s21, $0x0  }
0x11a: {  	s21 =	simm.s32 @!p1 $0x0  }
0x11b: {  	s21 =	smin.u32 s21, $0x1FF  }
0x11c: {  	s21 =	sshll.u32 s21, $0x7  }
0x11d: {  	v0 =	vld [tilespmem:s21+$0x0];
	_ =	sdelay $0x4  }
0x11e: {  	v0 =	vmul.f32 v1, v0  }
0x11f: {  	s19 =	sadd.s32 $0x80, s19  }
0x120: {  	[tilespmem:s19+$0xFFFFFFD0] =	vst v0  }
0x121: {  	v0 =	vld [tilespmem:s21+$0x10];
	_ =	sdelay $0x4  }
0x122: {  	v0 =	vmul.f32 v0, v1;
	_ =	sdelay $0x1  }
0x123: {  	[tilespmem:s19+$0xFFFFFFE0] =	vst v0  }
0x124: {  	v0 =	vld [tilespmem:s21+$0x20];
	_ =	sdelay $0x4  }
0x125: {  	v0 =	vmul.f32 v0, v1;
	_ =	sdelay $0x1  }
0x126: {  	[tilespmem:s19+$0xFFFFFFF0] =	vst v0  }
0x127: {  	v0 =	vld [tilespmem:s21+$0x30];
	_ =	sdelay $0x4  }
0x128: {  	v0 =	vmul.f32 v0, v1;
	_ =	sdelay $0x1  }
0x129: {  	[tilespmem:s19+$0x0] =	vst v0  }
0x12a: {  	v0 =	vld [tilespmem:s21+$0x40];
	_ =	sdelay $0x4  }
0x12b: {  	v0 =	vmul.f32 v0, v1;
	_ =	sdelay $0x1  }
0x12c: {  	[tilespmem:s19+$0x10] =	vst v0  }
0x12d: {  	v0 =	vld [tilespmem:s21+$0x50];
	_ =	sdelay $0x2  }
.Ltmp2:
0x12e: {  	(pc) =	sbr.rel @p0 .LBB2_6-.Ltmp2, $3  }
0x12f: {  	_ = 	snop  }
0x130: {  	v0 =	vmul.f32 v0, v1;
	_ =	sdelay $0x1  }
0x131: {  	s21 =	sshra.s32 s20, $0x2;
	s20 =	sadd.s32 $0x4, s20;
	[tilespmem:s19+$0x20] =	vst v0  }
0x132: {  	v0 =	vld [tilespmem:s21+$0x14C00];
	_ =	sdelay $0x4  }
0x133: {  	(v2sf) =	vpush v0, $0x0;
	_ =	sdelay $0xe  }
0x134: {  	s20 =	spop (v2sf)  }
0x135: {  	p0 =	sgt.s32 s20, $0x0  }
0x136: {  	s20 =	simm.s32 @!p0 $0x0  }
0x137: {  	s20 =	smin.u32 s20, $0x1FF  }
0x138: {  	v55 =	vld.msk [tilespmem:s21+$0x14D00 ss:$0x0], $0xffff;
	s20 =	sshll.u32 s20, $0x7  }
0x139: {  	v1 =	vld [tilespmem:s20+$0x0];
	_ =	sdelay $0x4  }
0x13a: {  	v1 =	vmul.f32 v55, v1  }
0x13b: {  	s19 =	sadd.s32 $0x80, s19  }
0x13c: {  	[tilespmem:s19+$0xFFFFFFD0] =	vst v1  }
0x13d: {  	v1 =	vld [tilespmem:s20+$0x10];
	_ =	sdelay $0x4  }
0x13e: {  	v1 =	vmul.f32 v1, v55;
	_ =	sdelay $0x1  }
0x13f: {  	[tilespmem:s19+$0xFFFFFFE0] =	vst v1  }
0x140: {  	v1 =	vld [tilespmem:s20+$0x20];
	_ =	sdelay $0x4  }
0x141: {  	v1 =	vmul.f32 v1, v55;
	_ =	sdelay $0x1  }
0x142: {  	[tilespmem:s19+$0xFFFFFFF0] =	vst v1  }
0x143: {  	v1 =	vld [tilespmem:s20+$0x30];
	_ =	sdelay $0x4  }
0x144: {  	v1 =	vmul.f32 v1, v55;
	_ =	sdelay $0x1  }
0x145: {  	[tilespmem:s19+$0x0] =	vst v1  }
0x146: {  	v1 =	vld [tilespmem:s20+$0x40];
	_ =	sdelay $0x4  }
0x147: {  	v1 =	vmul.f32 v1, v55;
	_ =	sdelay $0x1  }
0x148: {  	[tilespmem:s19+$0x10] =	vst v1  }
0x149: {  	v1 =	vld [tilespmem:s20+$0x50];
	_ =	sdelay $0x4  }
0x14a: {  	v0 =	vmul.f32 v1, v55;
	_ =	sdelay $0x1  }
0x14b: {  	s29 =	simm.s32 $0x0;
	[tilespmem:s19+$0x20] =	vst v0  }
0x14c: {  	[tilespmem:s29], [sflag:$0x1] =	stream.linear.gather [hbm4b:s11+s29], $0x10000, $0x38;
	[tilespmem:$0x14E00] =	vst v63  }
0x14d: {  	_ =	swait.ge [sflag:s15], $0x10000  }
0x14e: {  	[sflag:s15] =	ssyncset.done $0x0  }
0x14f: {  	s30 =	simm.s32 $0x0;
	[sflag:s15] =	ssyncadd.s32 $0xFFFF0000  }
0x150: {  	v56 =	vld [tilespmem:s30+$0x14C00];
	_ =	sdelay $0x4  }
0x151: {  	(v2sf) =	vpush v56, $0x0;
	_ =	sdelay $0xe  }
0x152: {  	s31 =	spop (v2sf)  }
0x153: {  	s21 =	sadd.s32 $0xFFFFFE00, s31  }
0x154: {  	p0 =	sgt.s32 s21, $0x0  }
0x155: {  	s21 =	simm.s32 @!p0 $0x0  }
0x156: {  	s21 =	smin.u32 s21, $0x1FF  }
0x157: {  	v57 =	vld.msk [tilespmem:s30+$0x14D00 ss:$0x0], $0xffff;
	s21 =	sshll.u32 s21, $0x7  }
0x158: {  	v58 =	vld [tilespmem:s21+$0x0]  }
0x159: {  	s19 =	simm.s32 $0x10030  }
0x15a: {  	v2 =	vld [tilespmem:s19+$0xFFFFFFD0];
	_ =	sdelay $0x2  }
0x15b: {  	v1 =	vmul.f32 v57, v58  }
0x15c: {  	p6 =	sgt.s32 s31, $0x1FF  }
0x15d: {  	v1 =	vpsel p6, v1, v2  }
0x15e: {  	[tilespmem:s19+$0xFFFFFFD0] =	vst v1  }
0x15f: {  	v1 =	vld [tilespmem:s21+$0x10];
	_ =	sdelay $0x1  }
0x160: {  	v59 =	vld [tilespmem:s19+$0xFFFFFFE0];
	_ =	sdelay $0x2  }
0x161: {  	v1 =	vmul.f32 v1, v57;
	_ =	sdelay $0x1  }
0x162: {  	v1 =	vpsel p6, v1, v59  }
0x163: {  	[tilespmem:s19+$0xFFFFFFE0] =	vst v1  }
0x164: {  	v1 =	vld [tilespmem:s21+$0x20];
	_ =	sdelay $0x1  }
0x165: {  	v60 =	vld [tilespmem:s19+$0xFFFFFFF0];
	_ =	sdelay $0x2  }
0x166: {  	v1 =	vmul.f32 v1, v57;
	_ =	sdelay $0x1  }
0x167: {  	v1 =	vpsel p6, v1, v60  }
0x168: {  	[tilespmem:s19+$0xFFFFFFF0] =	vst v1  }
0x169: {  	v1 =	vld [tilespmem:s21+$0x30];
	_ =	sdelay $0x1  }
0x16a: {  	v61 =	vld [tilespmem:s19+$0x0];
	_ =	sdelay $0x2  }
0x16b: {  	v1 =	vmul.f32 v1, v57;
	_ =	sdelay $0x1  }
0x16c: {  	v1 =	vpsel p6, v1, v61  }
0x16d: {  	[tilespmem:s19+$0x0] =	vst v1  }
0x16e: {  	v1 =	vld [tilespmem:s21+$0x40];
	_ =	sdelay $0x1  }
0x16f: {  	v62 =	vld [tilespmem:s19+$0x10];
	_ =	sdelay $0x2  }
0x170: {  	v1 =	vmul.f32 v1, v57;
	_ =	sdelay $0x1  }
0x171: {  	v1 =	vpsel p6, v1, v62  }
0x172: {  	[tilespmem:s19+$0x10] =	vst v1  }
0x173: {  	v1 =	vld [tilespmem:s21+$0x50];
	_ =	sdelay $0x1  }
0x174: {  	v63 =	vld [tilespmem:s19+$0x20];
	_ =	sdelay $0x2  }
0x175: {  	v0 =	vmul.f32 v1, v57;
	_ =	sdelay $0x1  }
0x176: {  	v0 =	vpsel p6, v0, v63  }
0x177: {  	s20 =	simm.s32 $0x8;
	s21 =	simm.s32 $0x1;
	[tilespmem:s19+$0x20] =	vst v0  }
.LBB2_8:
0x178: {  	p0 =	sne.s32 s20, $0x254;
	v0 =	vld [tilespmem:s21+$0x14C00]  }
0x179: {  	v1 =	vld.msk [tilespmem:s21+$0x14D00 ss:$0x0], $0xffff;
	_ =	sdelay $0x3  }
0x17a: {  	(v2sf) =	vpush v0, $0x0;
	_ =	sdelay $0xe  }
0x17b: {  	s22 =	spop (v2sf)  }
0x17c: {  	s21 =	sadd.s32 $0xFFFFFE00, s22  }
0x17d: {  	p1 =	sgt.s32 s21, $0x0  }
0x17e: {  	s21 =	simm.s32 @!p1 $0x0  }
0x17f: {  	s21 =	smin.u32 s21, $0x1FF  }
0x180: {  	s21 =	sshll.u32 s21, $0x7  }
0x181: {  	v0 =	vld [tilespmem:s21+$0x0]  }
0x182: {  	s19 =	sadd.s32 $0x80, s19  }
0x183: {  	v2 =	vld [tilespmem:s19+$0xFFFFFFD0];
	_ =	sdelay $0x2  }
0x184: {  	v0 =	vmul.f32 v1, v0  }
0x185: {  	p1 =	sgt.s32 s22, $0x1FF  }
0x186: {  	v0 =	vpsel p1, v0, v2  }
0x187: {  	[tilespmem:s19+$0xFFFFFFD0] =	vst v0  }
0x188: {  	v0 =	vld [tilespmem:s21+$0x10];
	_ =	sdelay $0x1  }
0x189: {  	v2 =	vld [tilespmem:s19+$0xFFFFFFE0];
	_ =	sdelay $0x2  }
0x18a: {  	v0 =	vmul.f32 v0, v1;
	_ =	sdelay $0x1  }
0x18b: {  	v0 =	vpsel p1, v0, v2  }
0x18c: {  	[tilespmem:s19+$0xFFFFFFE0] =	vst v0  }
0x18d: {  	v0 =	vld [tilespmem:s21+$0x20];
	_ =	sdelay $0x1  }
0x18e: {  	v2 =	vld [tilespmem:s19+$0xFFFFFFF0];
	_ =	sdelay $0x2  }
0x18f: {  	v0 =	vmul.f32 v0, v1;
	_ =	sdelay $0x1  }
0x190: {  	v0 =	vpsel p1, v0, v2  }
0x191: {  	[tilespmem:s19+$0xFFFFFFF0] =	vst v0  }
0x192: {  	v0 =	vld [tilespmem:s21+$0x30];
	_ =	sdelay $0x1  }
0x193: {  	v2 =	vld [tilespmem:s19+$0x0];
	_ =	sdelay $0x2  }
0x194: {  	v0 =	vmul.f32 v0, v1;
	_ =	sdelay $0x1  }
0x195: {  	v0 =	vpsel p1, v0, v2  }
0x196: {  	[tilespmem:s19+$0x0] =	vst v0  }
0x197: {  	v0 =	vld [tilespmem:s21+$0x40];
	_ =	sdelay $0x1  }
0x198: {  	v2 =	vld [tilespmem:s19+$0x10];
	_ =	sdelay $0x2  }
0x199: {  	v0 =	vmul.f32 v0, v1;
	_ =	sdelay $0x1  }
0x19a: {  	v0 =	vpsel p1, v0, v2  }
0x19b: {  	[tilespmem:s19+$0x10] =	vst v0  }
0x19c: {  	v0 =	vld [tilespmem:s21+$0x50];
	_ =	sdelay $0x1  }
0x19d: {  	v2 =	vld [tilespmem:s19+$0x20];
	_ =	sdelay $0x1  }
.Ltmp3:
0x19e: {  	(pc) =	sbr.rel @p0 .LBB2_8-.Ltmp3, $3  }
0x19f: {  	v0 =	vmul.f32 v0, v1;
	_ =	sdelay $0x1  }
0x1a0: {  	v0 =	vpsel p1, v0, v2  }
0x1a1: {  	s21 =	sshra.s32 s20, $0x2;
	s20 =	sadd.s32 $0x4, s20;
	[tilespmem:s19+$0x20] =	vst v0  }
0x1a2: {  	v0 =	vld [tilespmem:s21+$0x14C00];
	_ =	sdelay $0x4  }
0x1a3: {  	(v2sf) =	vpush v0, $0x0;
	_ =	sdelay $0xe  }
0x1a4: {  	s20 =	spop (v2sf)  }
0x1a5: {  	s22 =	sadd.s32 $0xFFFFFE00, s20  }
0x1a6: {  	p0 =	sgt.s32 s22, $0x0  }
0x1a7: {  	s22 =	simm.s32 @!p0 $0x0  }
0x1a8: {  	s22 =	smin.u32 s22, $0x1FF  }
0x1a9: {  	v58 =	vld.msk [tilespmem:s21+$0x14D00 ss:$0x0], $0xffff;
	s31 =	sshll.u32 s22, $0x7  }
0x1aa: {  	v1 =	vld [tilespmem:s31+$0x0]  }
0x1ab: {  	s19 =	sadd.s32 $0x80, s19  }
0x1ac: {  	v2 =	vld [tilespmem:s19+$0xFFFFFFD0];
	_ =	sdelay $0x2  }
0x1ad: {  	v1 =	vmul.f32 v58, v1  }
0x1ae: {  	p6 =	sgt.s32 s20, $0x1FF  }
0x1af: {  	v1 =	vpsel p6, v1, v2  }
0x1b0: {  	[tilespmem:s19+$0xFFFFFFD0] =	vst v1  }
0x1b1: {  	v1 =	vld [tilespmem:s31+$0x10];
	_ =	sdelay $0x1  }
0x1b2: {  	v59 =	vld [tilespmem:s19+$0xFFFFFFE0];
	_ =	sdelay $0x2  }
0x1b3: {  	v1 =	vmul.f32 v1, v58;
	_ =	sdelay $0x1  }
0x1b4: {  	v1 =	vpsel p6, v1, v59  }
0x1b5: {  	[tilespmem:s19+$0xFFFFFFE0] =	vst v1  }
0x1b6: {  	v1 =	vld [tilespmem:s31+$0x20];
	_ =	sdelay $0x1  }
0x1b7: {  	v60 =	vld [tilespmem:s19+$0xFFFFFFF0];
	_ =	sdelay $0x2  }
0x1b8: {  	v1 =	vmul.f32 v1, v58;
	_ =	sdelay $0x1  }
0x1b9: {  	v1 =	vpsel p6, v1, v60  }
0x1ba: {  	[tilespmem:s19+$0xFFFFFFF0] =	vst v1  }
0x1bb: {  	v1 =	vld [tilespmem:s31+$0x30];
	_ =	sdelay $0x1  }
0x1bc: {  	v61 =	vld [tilespmem:s19+$0x0];
	_ =	sdelay $0x2  }
0x1bd: {  	v1 =	vmul.f32 v1, v58;
	_ =	sdelay $0x1  }
0x1be: {  	v1 =	vpsel p6, v1, v61  }
0x1bf: {  	[tilespmem:s19+$0x0] =	vst v1  }
0x1c0: {  	v1 =	vld [tilespmem:s31+$0x40];
	_ =	sdelay $0x1  }
0x1c1: {  	v62 =	vld [tilespmem:s19+$0x10];
	_ =	sdelay $0x2  }
0x1c2: {  	v1 =	vmul.f32 v1, v58;
	_ =	sdelay $0x1  }
0x1c3: {  	v1 =	vpsel p6, v1, v62  }
0x1c4: {  	[tilespmem:s19+$0x10] =	vst v1  }
0x1c5: {  	v1 =	vld [tilespmem:s31+$0x50];
	_ =	sdelay $0x1  }
0x1c6: {  	v63 =	vld [tilespmem:s19+$0x20];
	_ =	sdelay $0x2  }
0x1c7: {  	v0 =	vmul.f32 v1, v58  }
0x1c8: {  	s18 =	sadd.s32 $0x1, s18  }
0x1c9: {  	p0 =	sne.s32 s18, s13;
	v0 =	vpsel p6, v0, v63  }
.Ltmp4:
0x1ca: {  	[tilespmem:s19+$0x20] =	vst v0;
	(pc) =	sbr.rel @p0 .LBB2_1-.Ltmp4, $4  }
0x1cb: {  	[hbm4b:s12+s2] =	stream.linear.scatter [tilespmem:s17], [sflag:$0x1], $0x4B00, $0x38;
	[tilespmem:$0x14E00] =	vst v63  }
0x1cc: {  	_ =	swait.ge [sflag:s15], $0x4B00  }
0x1cd: {  	[sflag:s15] =	ssyncset.done $0x0  }
0x1ce: {  	[sflag:s15] =	ssyncadd.s32 $0xFFFFB500  }
0x1cf: {  	_ =	sfence.sel $0x180000  }
0x1d0: {  	[bflag:$0x0] =	sbarrier.arrive $0xFFFF  }
0x1d1: {  	p0 =	sne.s32 s0, $0x0;
	_ =	strace $0x90000047  }
0x1d2: {  	s0 =	sadd.s32 @!p0 $0x100000, s1;
	[bflag:$0x2] =	sbarrier.arrive $0xFFFF  }
0x1d3: {  	[sflag:s0] =	ssyncadd.tile.s32 @!p0 $0x1;
	_ =	shalt  }
.Lfunc_end2:
_tile_overlayer_lowered:
.L_overlay_start_2:
0x1d4: {  	(tag) =	ssettag $0x2  }
0x1d5: {  	s0 =	rddreg [dreg:$0x0];
	s2 =	stileid.u32  }
0x1d6: {  	s1 =	rddreg [dreg:$0x1];
	p0 =	sne.s32 s2, $0x0  }
0x1d7: {  	s3 =	rddreg [dreg:$0x2];
	[bflag:$0x3] =	sbarrier.arrive $0xFFFF;
	s2 =	simm.s32 @!p0 $0x1C01  }
0x1d8: {  	[timem:s3], [sflag:s2] =	dma.local @!p0 [hbm:s0], s1  }
0x1d9: {  	s0 =	simm.s32 @!p0 $0x1  }
0x1da: {  	_ =	swait.ge @!p0 [sflag:s0], s1  }
0x1db: {  	s1 =	ssub.s32 @!p0 $0x0, s1;
	[sflag:s0] =	ssyncset.done @!p0 $0x0  }
0x1dc: {  	[sflag:s0] =	ssyncadd.s32 @!p0 s1  }
0x1dd: {  	[bflag:$0x3] =	sbarrier.arrive $0xFFFF  }
0x1de: {  	_ =	shalt  }

</sc_bundles>
